<compile_context>
chip_gen: v7x
topology: tpu7x:2x2x1
jax: 0.10.2.dev20260603
libtpu: 0.0.44.dev20260713+nightly
codegen_flags: <defaults>
</compile_context>

<pallas_src>
import functools

import jax
import jax.numpy as jnp
from jax import lax
from jax.experimental import pallas as pl
from jax.experimental.pallas import tpu as pltpu
from jax.experimental.pallas import tpu_sc as plsc

VOCAB = 100000
NDIM = 64
NNEG = 5

NC = 2
NS = 16
NW = NC * NS

CHUNK_NOI = 800
CHUNK_BIG = 320
CHUNK_CEN = 128
NB = 2


def _emit_phase(emb, idx_hbm, out_hbm, base_w, n_chunks, CHUNK,
                idx_v, rows_v, isem, gsem, wsem):

    def start_idx(b, c):
        pltpu.async_copy(idx_hbm.at[pl.ds(base_w + c * CHUNK, CHUNK)],
                         idx_v[b], isem[b])

    def wait_idx(b):
        pltpu.make_async_copy(idx_hbm.at[pl.ds(0, CHUNK)], idx_v[b],
                              isem[b]).wait()

    def start_gather(b):
        pltpu.async_copy(emb.at[idx_v[b]], rows_v[b], gsem[b])

    def wait_gather(b):
        pltpu.make_async_copy(emb.at[idx_v[b]], rows_v[b], gsem[b]).wait()

    def start_write(b, c):
        pltpu.async_copy(rows_v[b],
                         out_hbm.at[pl.ds(base_w + c * CHUNK, CHUNK)], wsem[b])

    def wait_write(b):
        pltpu.make_async_copy(rows_v[b], out_hbm.at[pl.ds(0, CHUNK)],
                              wsem[b]).wait()

    if n_chunks < 2 * NB:
        for c in range(n_chunks):
            b = c % NB
            start_idx(b, c)
            wait_idx(b)
            start_gather(b)
            wait_gather(b)
            start_write(b, c)
        for c in range(max(0, n_chunks - NB), n_chunks):
            wait_write(c % NB)
        return

    assert n_chunks % NB == 0
    n_groups = n_chunks // NB

    def group_body(g, *, first, last):
        for b in range(NB):
            c = g * NB + b
            wait_gather(b)
            if not last:
                start_idx(b, c + NB)
            start_write(b, c)
            if last and b == NB - 1:
                continue
            b1 = (b + 1) % NB
            c1_ge_nb = (not first) or (b + 1 >= NB)
            if c1_ge_nb:
                wait_write(b1)
            wait_idx(b1)
            start_gather(b1)

    for b in range(NB):
        start_idx(b, b)
    wait_idx(0)
    start_gather(0)

    group_body(0, first=True, last=(n_groups == 1))
    if n_groups > 2:
        def loop_body(g, carry):
            group_body(g, first=False, last=False)
            return carry
        lax.fori_loop(1, n_groups - 1, loop_body, 0)
    if n_groups > 1:
        group_body(n_groups - 1, first=False, last=True)

    for b in range(NB):
        wait_write(b)


def _make_gather(n_ctx, n_cen, n_noi):
    mesh = plsc.VectorSubcoreMesh(core_axis_name="c", subcore_axis_name="s")

    @functools.partial(
        pl.kernel,
        mesh=mesh,
        out_type=(
            jax.ShapeDtypeStruct((n_ctx, NDIM), jnp.float32),
            jax.ShapeDtypeStruct((n_cen, NDIM), jnp.float32),
            jax.ShapeDtypeStruct((n_noi, NDIM), jnp.float32),
        ),
        scratch_types=[
            pltpu.VMEM((CHUNK_NOI,), jnp.int32),
            pltpu.VMEM((CHUNK_NOI,), jnp.int32),
            pltpu.VMEM((CHUNK_NOI, NDIM), jnp.float32),
            pltpu.VMEM((CHUNK_NOI, NDIM), jnp.float32),
            pltpu.SemaphoreType.DMA,
            pltpu.SemaphoreType.DMA,
            pltpu.SemaphoreType.DMA,
            pltpu.SemaphoreType.DMA,
            pltpu.SemaphoreType.DMA,
            pltpu.SemaphoreType.DMA,
        ],
        compiler_params=pltpu.CompilerParams(use_tc_tiling_on_sc=False),
    )
    def gather_kernel(ctx_idx, cen_idx, noi_idx, emb,
                      out_ctx, out_cen, out_noi,
                      idx0, idx1, rows0, rows1,
                      isem0, isem1, gsem0, gsem1, wsem0, wsem1):
        wid = lax.axis_index("s") * NC + lax.axis_index("c")
        isem = [isem0, isem1]
        gsem = [gsem0, gsem1]
        wsem = [wsem0, wsem1]
        for idx_hbm, out_hbm, n_total, chunk in (
            (ctx_idx, out_ctx, n_ctx, CHUNK_BIG),
            (cen_idx, out_cen, n_cen, CHUNK_CEN),
            (noi_idx, out_noi, n_noi, CHUNK_NOI),
        ):
            idx_v = [idx0.at[pl.ds(0, chunk)], idx1.at[pl.ds(0, chunk)]]
            rows_v = [rows0.at[pl.ds(0, chunk), :], rows1.at[pl.ds(0, chunk), :]]
            per_w = n_total // NW
            _emit_phase(emb, idx_hbm, out_hbm, wid * per_w, per_w // chunk,
                        chunk, idx_v, rows_v, isem, gsem, wsem)

    return gather_kernel


def kernel(contexts, centers, embedding):
    n_center = centers.shape[0]
    win = contexts.shape[1]
    n_ctx = n_center * win
    n_noi = n_center * NNEG * win

    noise_key = jax.random.fold_in(jax.random.key(0), 12345)
    noise_words = jax.random.randint(noise_key, (n_noi,), 0, VOCAB)

    ctx_idx = contexts.reshape(-1).astype(jnp.int32)
    cen_idx = centers.astype(jnp.int32)
    noi_idx = noise_words.astype(jnp.int32)

    out_ctx, out_cen, out_noi = _make_gather(n_ctx, n_center, n_noi)(
        ctx_idx, cen_idx, noi_idx, embedding
    )
    return (
        out_ctx.reshape(n_center, win, NDIM),
        out_cen,
        out_noi.reshape(n_center, win * NNEG, NDIM),
    )

# --- scband reference (transcript-rebuilt; emitter-appended) ---
"""Pipeline reference for scband-skip-gram-embedding-11819749999252 (READ-ONLY COPY).

The authoritative reference and input builder live on the scoring server;
editing this copy changes nothing except your own understanding.
"""

import jax, jax.numpy as jnp
import numpy as np

VOCAB = 100000
NDIM = 64
NNEG = 5
B = 4096
WIN = 10


def setup_inputs(seed: int = 0) -> dict:
    key = jax.random.key(seed)
    k1, k2, k3 = jax.random.split(key, 3)
    contexts = jax.random.randint(k1, (B, WIN), 0, VOCAB)
    centers = jax.random.randint(k2, (B,), 0, VOCAB)
    embedding = jax.random.normal(k3, (VOCAB, NDIM), dtype=jnp.float32)
    return {"contexts": contexts, "centers": centers, "embedding": embedding}


def reference(contexts, centers, embedding):
    n_center_words = centers.shape[0]
    double_window_size = contexts.shape[1]
    # gather: embedding lookups
    center_embeddings = jnp.take(embedding, centers, axis=0)
    context_embeddings = jnp.take(embedding, contexts, axis=0)
    # torch.multinomial over a uniform (all-ones) noise distribution with
    # replacement == uniform random vocab indices
    noise_key = jax.random.fold_in(jax.random.key(0), 12345)
    noise_words = jax.random.randint(
        noise_key, (n_center_words * NNEG * double_window_size,), 0, VOCAB
    )
    noise_embeddings = jnp.take(embedding, noise_words, axis=0)
    noise_embeddings = noise_embeddings.reshape(
        n_center_words, double_window_size * NNEG, NDIM
    )
    return (context_embeddings, center_embeddings, noise_embeddings)

if __name__ == "__main__":
    import jax
    _d = setup_inputs()
    print(jax.jit(kernel)(*tuple(_d.values())))

</pallas_src>

<mosaic_0001>
#map = affine_map<(d0, d1) -> (0)>
#map1 = affine_map<(d0, d1) -> (0, 0)>
module attributes {stable_mosaic.version = 14 : i64} {
  func.func @gather_kernel(%arg0: i32, %arg1: i32, %arg2: memref<40960xi32, #tpu.memory_space<hbm>>, %arg3: memref<4096xi32, #tpu.memory_space<hbm>>, %arg4: memref<204800xi32, #tpu.memory_space<hbm>>, %arg5: memref<100000x64xf32, #tpu.memory_space<hbm>>, %arg6: memref<40960x64xf32, #tpu.memory_space<hbm>>, %arg7: memref<4096x64xf32, #tpu.memory_space<hbm>>, %arg8: memref<204800x64xf32, #tpu.memory_space<hbm>>, %arg9: memref<800xi32, #tpu.memory_space<vmem>>, %arg10: memref<800xi32, #tpu.memory_space<vmem>>, %arg11: memref<800x64xf32, #tpu.memory_space<vmem>>, %arg12: memref<800x64xf32, #tpu.memory_space<vmem>>, %arg13: memref<!tpu.dma_semaphore, #tpu.memory_space<semaphore_mem>>, %arg14: memref<!tpu.dma_semaphore, #tpu.memory_space<semaphore_mem>>, %arg15: memref<!tpu.dma_semaphore, #tpu.memory_space<semaphore_mem>>, %arg16: memref<!tpu.dma_semaphore, #tpu.memory_space<semaphore_mem>>, %arg17: memref<!tpu.dma_semaphore, #tpu.memory_space<semaphore_mem>>, %arg18: memref<!tpu.dma_semaphore, #tpu.memory_space<semaphore_mem>>) attributes {dimension_semantics = [#tpu.dimension_semantics<core_parallel>, #tpu.dimension_semantics<subcore_parallel>], iteration_bounds = array<i64: 2, 16>, scalar_prefetch = 0 : i64, scratch_operands = 10 : i64, tpu.core_type = #tpu.core_type<sc_vector_subcore>, window_params = [{transform_indices = #map}, {transform_indices = #map}, {transform_indices = #map}, {transform_indices = #map1}, {transform_indices = #map1}, {transform_indices = #map1}, {transform_indices = #map1}]} {
    %mul3A = arith.constant 2 : i32
    %mul3A_0 = arith.muli %arg1, %mul3A : i32
    %add3A = arith.addi %mul3A_0, %arg0 : i32
    %mul3A_1 = arith.constant 1280 : i32
    %mul3A_2 = arith.muli %add3A, %mul3A_1 : i32
    %add3A_3 = arith.constant 0 : i32
    %add3A_4 = arith.addi %mul3A_2, %add3A_3 : i32
    %dma_start3A = arith.constant 0 : i32
    %dma_start3A_5 = tpu.memref_slice %arg9[%dma_start3A] : memref<800xi32, #tpu.memory_space<vmem>> -> memref<320xi32, #tpu.memory_space<vmem>>
    %dma_start3A_6 = tpu.memref_slice %arg2[%add3A_4] : memref<40960xi32, #tpu.memory_space<hbm>> -> memref<320xi32, #tpu.memory_space<hbm>>
    %dma_start3A_7 = arith.constant 0 : i32
    %dma_start3A_8 = tpu.memref_slice %arg9[%dma_start3A_7] : memref<800xi32, #tpu.memory_space<vmem>> -> memref<320xi32, #tpu.memory_space<vmem>>
    %dma_start3A_9 = tpu.memref_slice %arg2[%add3A_4] : memref<40960xi32, #tpu.memory_space<hbm>> -> memref<320xi32, #tpu.memory_space<hbm>>
    tpu.enqueue_dma source(%dma_start3A_9 : memref<320xi32, #tpu.memory_space<hbm>>) target(%dma_start3A_8 : memref<320xi32, #tpu.memory_space<vmem>>) target_semaphore(%arg13 : memref<!tpu.dma_semaphore, #tpu.memory_space<semaphore_mem>>)
    %add3A_10 = arith.constant 320 : i32
    %add3A_11 = arith.addi %mul3A_2, %add3A_10 : i32
    %dma_start3A_12 = arith.constant 0 : i32
    %dma_start3A_13 = tpu.memref_slice %arg10[%dma_start3A_12] : memref<800xi32, #tpu.memory_space<vmem>> -> memref<320xi32, #tpu.memory_space<vmem>>
    %dma_start3A_14 = tpu.memref_slice %arg2[%add3A_11] : memref<40960xi32, #tpu.memory_space<hbm>> -> memref<320xi32, #tpu.memory_space<hbm>>
    %dma_start3A_15 = arith.constant 0 : i32
    %dma_start3A_16 = tpu.memref_slice %arg10[%dma_start3A_15] : memref<800xi32, #tpu.memory_space<vmem>> -> memref<320xi32, #tpu.memory_space<vmem>>
    %dma_start3A_17 = tpu.memref_slice %arg2[%add3A_11] : memref<40960xi32, #tpu.memory_space<hbm>> -> memref<320xi32, #tpu.memory_space<hbm>>
    tpu.enqueue_dma source(%dma_start3A_17 : memref<320xi32, #tpu.memory_space<hbm>>) target(%dma_start3A_16 : memref<320xi32, #tpu.memory_space<vmem>>) target_semaphore(%arg14 : memref<!tpu.dma_semaphore, #tpu.memory_space<semaphore_mem>>)
    %dma_wait3A = arith.constant 0 : i32
    %dma_wait3A_18 = tpu.memref_slice %arg9[%dma_wait3A] : memref<800xi32, #tpu.memory_space<vmem>> -> memref<320xi32, #tpu.memory_space<vmem>>
    %dma_wait3A_19 = arith.constant 0 : i32
    %dma_wait3A_20 = tpu.memref_slice %arg2[%dma_wait3A_19] : memref<40960xi32, #tpu.memory_space<hbm>> -> memref<320xi32, #tpu.memory_space<hbm>>
    %dma_wait3A_21 = arith.constant 0 : i32
    %dma_wait3A_22 = tpu.memref_slice %arg9[%dma_wait3A_21] : memref<800xi32, #tpu.memory_space<vmem>> -> memref<320xi32, #tpu.memory_space<vmem>>
    %dma_wait3A_23 = arith.constant 0 : i32
    %dma_wait3A_24 = tpu.memref_slice %arg2[%dma_wait3A_23] : memref<40960xi32, #tpu.memory_space<hbm>> -> memref<320xi32, #tpu.memory_space<hbm>>
    tpu.wait_dma2 semaphore(%arg13 : memref<!tpu.dma_semaphore, #tpu.memory_space<semaphore_mem>>) src(%dma_wait3A_24 : memref<320xi32, #tpu.memory_space<hbm>>) dst(%dma_wait3A_22 : memref<320xi32, #tpu.memory_space<vmem>>)
    %dma_start3A_25 = arith.constant 0 : i32
    %dma_start3A_26 = arith.constant 0 : i32
    %dma_start3A_27 = tpu.memref_slice %arg11[%dma_start3A_25, %dma_start3A_26] : memref<800x64xf32, #tpu.memory_space<vmem>> -> memref<320x64xf32, #tpu.memory_space<vmem>>
    %dma_start3A_28 = arith.constant 0 : i32
    %dma_start3A_29 = tpu.memref_slice %arg9[%dma_start3A_28] : memref<800xi32, #tpu.memory_space<vmem>> -> memref<320xi32, #tpu.memory_space<vmem>>
    %dma_start3A_30 = arith.constant 0 : i32
    %dma_start3A_31 = arith.constant 0 : i32
    %dma_start3A_32 = tpu.memref_slice %arg5[%dma_start3A_30, %dma_start3A_31] : memref<100000x64xf32, #tpu.memory_space<hbm>> -> memref<100000x64xf32, #tpu.memory_space<hbm>>
    tpu.enqueue_indirect_dma source(%dma_start3A_32 : memref<100000x64xf32, #tpu.memory_space<hbm>>) target(%dma_start3A_27 : memref<320x64xf32, #tpu.memory_space<vmem>>) offsets(%dma_start3A_29 : memref<320xi32, #tpu.memory_space<vmem>>) semaphore(%arg15 : memref<!tpu.dma_semaphore, #tpu.memory_space<semaphore_mem>>)
    %dma_wait3A_33 = arith.constant 0 : i32
    %dma_wait3A_34 = arith.constant 0 : i32
    %dma_wait3A_35 = tpu.memref_slice %arg11[%dma_wait3A_33, %dma_wait3A_34] : memref<800x64xf32, #tpu.memory_space<vmem>> -> memref<320x64xf32, #tpu.memory_space<vmem>>
    %dma_wait3A_36 = arith.constant 0 : i32
    %dma_wait3A_37 = tpu.memref_slice %arg9[%dma_wait3A_36] : memref<800xi32, #tpu.memory_space<vmem>> -> memref<320xi32, #tpu.memory_space<vmem>>
    %dma_wait3A_38 = arith.constant 0 : i32
    %dma_wait3A_39 = arith.constant 0 : i32
    %dma_wait3A_40 = tpu.memref_slice %arg5[%dma_wait3A_38, %dma_wait3A_39] : memref<100000x64xf32, #tpu.memory_space<hbm>> -> memref<100000x64xf32, #tpu.memory_space<hbm>>
    tpu.wait_indirect_dma semaphore(%arg15 : memref<!tpu.dma_semaphore, #tpu.memory_space<semaphore_mem>>) src(%dma_wait3A_40 : memref<100000x64xf32, #tpu.memory_space<hbm>>) dst(%dma_wait3A_35 : memref<320x64xf32, #tpu.memory_space<vmem>>)
    %add3A_41 = arith.constant 640 : i32
    %add3A_42 = arith.addi %mul3A_2, %add3A_41 : i32
    %dma_start3A_43 = arith.constant 0 : i32
    %dma_start3A_44 = tpu.memref_slice %arg9[%dma_start3A_43] : memref<800xi32, #tpu.memory_space<vmem>> -> memref<320xi32, #tpu.memory_space<vmem>>
    %dma_start3A_45 = tpu.memref_slice %arg2[%add3A_42] : memref<40960xi32, #tpu.memory_space<hbm>> -> memref<320xi32, #tpu.memory_space<hbm>>
    %dma_start3A_46 = arith.constant 0 : i32
    %dma_start3A_47 = tpu.memref_slice %arg9[%dma_start3A_46] : memref<800xi32, #tpu.memory_space<vmem>> -> memref<320xi32, #tpu.memory_space<vmem>>
    %dma_start3A_48 = tpu.memref_slice %arg2[%add3A_42] : memref<40960xi32, #tpu.memory_space<hbm>> -> memref<320xi32, #tpu.memory_space<hbm>>
    tpu.enqueue_dma source(%dma_start3A_48 : memref<320xi32, #tpu.memory_space<hbm>>) target(%dma_start3A_47 : memref<320xi32, #tpu.memory_space<vmem>>) target_semaphore(%arg13 : memref<!tpu.dma_semaphore, #tpu.memory_space<semaphore_mem>>)
    %add3A_49 = arith.constant 0 : i32
    %add3A_50 = arith.addi %mul3A_2, %add3A_49 : i32
    %dma_start3A_51 = arith.constant 0 : i32
    %dma_start3A_52 = arith.constant 0 : i32
    %dma_start3A_53 = tpu.memref_slice %arg11[%dma_start3A_51, %dma_start3A_52] : memref<800x64xf32, #tpu.memory_space<vmem>> -> memref<320x64xf32, #tpu.memory_space<vmem>>
    %dma_start3A_54 = arith.constant 0 : i32
    %dma_start3A_55 = tpu.memref_slice %arg6[%add3A_50, %dma_start3A_54] : memref<40960x64xf32, #tpu.memory_space<hbm>> -> memref<320x64xf32, #tpu.memory_space<hbm>>
    %dma_start3A_56 = arith.constant 0 : i32
    %dma_start3A_57 = tpu.memref_slice %arg6[%add3A_50, %dma_start3A_56] : memref<40960x64xf32, #tpu.memory_space<hbm>> -> memref<320x64xf32, #tpu.memory_space<hbm>>
    %dma_start3A_58 = arith.constant 0 : i32
    %dma_start3A_59 = arith.constant 0 : i32
    %dma_start3A_60 = tpu.memref_slice %arg11[%dma_start3A_58, %dma_start3A_59] : memref<800x64xf32, #tpu.memory_space<vmem>> -> memref<320x64xf32, #tpu.memory_space<vmem>>
    tpu.enqueue_dma source(%dma_start3A_60 : memref<320x64xf32, #tpu.memory_space<vmem>>) target(%dma_start3A_57 : memref<320x64xf32, #tpu.memory_space<hbm>>) target_semaphore(%arg17 : memref<!tpu.dma_semaphore, #tpu.memory_space<semaphore_mem>>)
    %dma_wait3A_61 = arith.constant 0 : i32
    %dma_wait3A_62 = tpu.memref_slice %arg10[%dma_wait3A_61] : memref<800xi32, #tpu.memory_space<vmem>> -> memref<320xi32, #tpu.memory_space<vmem>>
    %dma_wait3A_63 = arith.constant 0 : i32
    %dma_wait3A_64 = tpu.memref_slice %arg2[%dma_wait3A_63] : memref<40960xi32, #tpu.memory_space<hbm>> -> memref<320xi32, #tpu.memory_space<hbm>>
    %dma_wait3A_65 = arith.constant 0 : i32
    %dma_wait3A_66 = tpu.memref_slice %arg10[%dma_wait3A_65] : memref<800xi32, #tpu.memory_space<vmem>> -> memref<320xi32, #tpu.memory_space<vmem>>
    %dma_wait3A_67 = arith.constant 0 : i32
    %dma_wait3A_68 = tpu.memref_slice %arg2[%dma_wait3A_67] : memref<40960xi32, #tpu.memory_space<hbm>> -> memref<320xi32, #tpu.memory_space<hbm>>
    tpu.wait_dma2 semaphore(%arg14 : memref<!tpu.dma_semaphore, #tpu.memory_space<semaphore_mem>>) src(%dma_wait3A_68 : memref<320xi32, #tpu.memory_space<hbm>>) dst(%dma_wait3A_66 : memref<320xi32, #tpu.memory_space<vmem>>)
    %dma_start3A_69 = arith.constant 0 : i32
    %dma_start3A_70 = arith.constant 0 : i32
    %dma_start3A_71 = tpu.memref_slice %arg12[%dma_start3A_69, %dma_start3A_70] : memref<800x64xf32, #tpu.memory_space<vmem>> -> memref<320x64xf32, #tpu.memory_space<vmem>>
    %dma_start3A_72 = arith.constant 0 : i32
    %dma_start3A_73 = tpu.memref_slice %arg10[%dma_start3A_72] : memref<800xi32, #tpu.memory_space<vmem>> -> memref<320xi32, #tpu.memory_space<vmem>>
    %dma_start3A_74 = arith.constant 0 : i32
    %dma_start3A_75 = arith.constant 0 : i32
    %dma_start3A_76 = tpu.memref_slice %arg5[%dma_start3A_74, %dma_start3A_75] : memref<100000x64xf32, #tpu.memory_space<hbm>> -> memref<100000x64xf32, #tpu.memory_space<hbm>>
    tpu.enqueue_indirect_dma source(%dma_start3A_76 : memref<100000x64xf32, #tpu.memory_space<hbm>>) target(%dma_start3A_71 : memref<320x64xf32, #tpu.memory_space<vmem>>) offsets(%dma_start3A_73 : memref<320xi32, #tpu.memory_space<vmem>>) semaphore(%arg16 : memref<!tpu.dma_semaphore, #tpu.memory_space<semaphore_mem>>)
    %dma_wait3A_77 = arith.constant 0 : i32
    %dma_wait3A_78 = arith.constant 0 : i32
    %dma_wait3A_79 = tpu.memref_slice %arg12[%dma_wait3A_77, %dma_wait3A_78] : memref<800x64xf32, #tpu.memory_space<vmem>> -> memref<320x64xf32, #tpu.memory_space<vmem>>
    %dma_wait3A_80 = arith.constant 0 : i32
    %dma_wait3A_81 = tpu.memref_slice %arg10[%dma_wait3A_80] : memref<800xi32, #tpu.memory_space<vmem>> -> memref<320xi32, #tpu.memory_space<vmem>>
    %dma_wait3A_82 = arith.constant 0 : i32
    %dma_wait3A_83 = arith.constant 0 : i32
    %dma_wait3A_84 = tpu.memref_slice %arg5[%dma_wait3A_82, %dma_wait3A_83] : memref<100000x64xf32, #tpu.memory_space<hbm>> -> memref<100000x64xf32, #tpu.memory_space<hbm>>
    tpu.wait_indirect_dma semaphore(%arg16 : memref<!tpu.dma_semaphore, #tpu.memory_space<semaphore_mem>>) src(%dma_wait3A_84 : memref<100000x64xf32, #tpu.memory_space<hbm>>) dst(%dma_wait3A_79 : memref<320x64xf32, #tpu.memory_space<vmem>>)
    %add3A_85 = arith.constant 960 : i32
    %add3A_86 = arith.addi %mul3A_2, %add3A_85 : i32
    %dma_start3A_87 = arith.constant 0 : i32
    %dma_start3A_88 = tpu.memref_slice %arg10[%dma_start3A_87] : memref<800xi32, #tpu.memory_space<vmem>> -> memref<320xi32, #tpu.memory_space<vmem>>
    %dma_start3A_89 = tpu.memref_slice %arg2[%add3A_86] : memref<40960xi32, #tpu.memory_space<hbm>> -> memref<320xi32, #tpu.memory_space<hbm>>
    %dma_start3A_90 = arith.constant 0 : i32
    %dma_start3A_91 = tpu.memref_slice %arg10[%dma_start3A_90] : memref<800xi32, #tpu.memory_space<vmem>> -> memref<320xi32, #tpu.memory_space<vmem>>
    %dma_start3A_92 = tpu.memref_slice %arg2[%add3A_86] : memref<40960xi32, #tpu.memory_space<hbm>> -> memref<320xi32, #tpu.memory_space<hbm>>
    tpu.enqueue_dma source(%dma_start3A_92 : memref<320xi32, #tpu.memory_space<hbm>>) target(%dma_start3A_91 : memref<320xi32, #tpu.memory_space<vmem>>) target_semaphore(%arg14 : memref<!tpu.dma_semaphore, #tpu.memory_space<semaphore_mem>>)
    %add3A_93 = arith.constant 320 : i32
    %add3A_94 = arith.addi %mul3A_2, %add3A_93 : i32
    %dma_start3A_95 = arith.constant 0 : i32
    %dma_start3A_96 = arith.constant 0 : i32
    %dma_start3A_97 = tpu.memref_slice %arg12[%dma_start3A_95, %dma_start3A_96] : memref<800x64xf32, #tpu.memory_space<vmem>> -> memref<320x64xf32, #tpu.memory_space<vmem>>
    %dma_start3A_98 = arith.constant 0 : i32
    %dma_start3A_99 = tpu.memref_slice %arg6[%add3A_94, %dma_start3A_98] : memref<40960x64xf32, #tpu.memory_space<hbm>> -> memref<320x64xf32, #tpu.memory_space<hbm>>
    %dma_start3A_100 = arith.constant 0 : i32
    %dma_start3A_101 = tpu.memref_slice %arg6[%add3A_94, %dma_start3A_100] : memref<40960x64xf32, #tpu.memory_space<hbm>> -> memref<320x64xf32, #tpu.memory_space<hbm>>
    %dma_start3A_102 = arith.constant 0 : i32
    %dma_start3A_103 = arith.constant 0 : i32
    %dma_start3A_104 = tpu.memref_slice %arg12[%dma_start3A_102, %dma_start3A_103] : memref<800x64xf32, #tpu.memory_space<vmem>> -> memref<320x64xf32, #tpu.memory_space<vmem>>
    tpu.enqueue_dma source(%dma_start3A_104 : memref<320x64xf32, #tpu.memory_space<vmem>>) target(%dma_start3A_101 : memref<320x64xf32, #tpu.memory_space<hbm>>) target_semaphore(%arg18 : memref<!tpu.dma_semaphore, #tpu.memory_space<semaphore_mem>>)
    %dma_wait3A_105 = arith.constant 0 : i32
    %dma_wait3A_106 = arith.constant 0 : i32
    %dma_wait3A_107 = tpu.memref_slice %arg11[%dma_wait3A_105, %dma_wait3A_106] : memref<800x64xf32, #tpu.memory_space<vmem>> -> memref<320x64xf32, #tpu.memory_space<vmem>>
    %dma_wait3A_108 = arith.constant 0 : i32
    %dma_wait3A_109 = arith.constant 0 : i32
    %dma_wait3A_110 = tpu.memref_slice %arg6[%dma_wait3A_108, %dma_wait3A_109] : memref<40960x64xf32, #tpu.memory_space<hbm>> -> memref<320x64xf32, #tpu.memory_space<hbm>>
    %dma_wait3A_111 = arith.constant 0 : i32
    %dma_wait3A_112 = arith.constant 0 : i32
    %dma_wait3A_113 = tpu.memref_slice %arg6[%dma_wait3A_111, %dma_wait3A_112] : memref<40960x64xf32, #tpu.memory_space<hbm>> -> memref<320x64xf32, #tpu.memory_space<hbm>>
    %dma_wait3A_114 = arith.constant 0 : i32
    %dma_wait3A_115 = arith.constant 0 : i32
    %dma_wait3A_116 = tpu.memref_slice %arg11[%dma_wait3A_114, %dma_wait3A_115] : memref<800x64xf32, #tpu.memory_space<vmem>> -> memref<320x64xf32, #tpu.memory_space<vmem>>
    tpu.wait_dma2 semaphore(%arg17 : memref<!tpu.dma_semaphore, #tpu.memory_space<semaphore_mem>>) src(%dma_wait3A_116 : memref<320x64xf32, #tpu.memory_space<vmem>>) dst(%dma_wait3A_113 : memref<320x64xf32, #tpu.memory_space<hbm>>)
    %dma_wait3A_117 = arith.constant 0 : i32
    %dma_wait3A_118 = tpu.memref_slice %arg9[%dma_wait3A_117] : memref<800xi32, #tpu.memory_space<vmem>> -> memref<320xi32, #tpu.memory_space<vmem>>
    %dma_wait3A_119 = arith.constant 0 : i32
    %dma_wait3A_120 = tpu.memref_slice %arg2[%dma_wait3A_119] : memref<40960xi32, #tpu.memory_space<hbm>> -> memref<320xi32, #tpu.memory_space<hbm>>
    %dma_wait3A_121 = arith.constant 0 : i32
    %dma_wait3A_122 = tpu.memref_slice %arg9[%dma_wait3A_121] : memref<800xi32, #tpu.memory_space<vmem>> -> memref<320xi32, #tpu.memory_space<vmem>>
    %dma_wait3A_123 = arith.constant 0 : i32
    %dma_wait3A_124 = tpu.memref_slice %arg2[%dma_wait3A_123] : memref<40960xi32, #tpu.memory_space<hbm>> -> memref<320xi32, #tpu.memory_space<hbm>>
    tpu.wait_dma2 semaphore(%arg13 : memref<!tpu.dma_semaphore, #tpu.memory_space<semaphore_mem>>) src(%dma_wait3A_124 : memref<320xi32, #tpu.memory_space<hbm>>) dst(%dma_wait3A_122 : memref<320xi32, #tpu.memory_space<vmem>>)
    %dma_start3A_125 = arith.constant 0 : i32
    %dma_start3A_126 = arith.constant 0 : i32
    %dma_start3A_127 = tpu.memref_slice %arg11[%dma_start3A_125, %dma_start3A_126] : memref<800x64xf32, #tpu.memory_space<vmem>> -> memref<320x64xf32, #tpu.memory_space<vmem>>
    %dma_start3A_128 = arith.constant 0 : i32
    %dma_start3A_129 = tpu.memref_slice %arg9[%dma_start3A_128] : memref<800xi32, #tpu.memory_space<vmem>> -> memref<320xi32, #tpu.memory_space<vmem>>
    %dma_start3A_130 = arith.constant 0 : i32
    %dma_start3A_131 = arith.constant 0 : i32
    %dma_start3A_132 = tpu.memref_slice %arg5[%dma_start3A_130, %dma_start3A_131] : memref<100000x64xf32, #tpu.memory_space<hbm>> -> memref<100000x64xf32, #tpu.memory_space<hbm>>
    tpu.enqueue_indirect_dma source(%dma_start3A_132 : memref<100000x64xf32, #tpu.memory_space<hbm>>) target(%dma_start3A_127 : memref<320x64xf32, #tpu.memory_space<vmem>>) offsets(%dma_start3A_129 : memref<320xi32, #tpu.memory_space<vmem>>) semaphore(%arg15 : memref<!tpu.dma_semaphore, #tpu.memory_space<semaphore_mem>>)
    %dma_wait3A_133 = arith.constant 0 : i32
    %dma_wait3A_134 = arith.constant 0 : i32
    %dma_wait3A_135 = tpu.memref_slice %arg11[%dma_wait3A_133, %dma_wait3A_134] : memref<800x64xf32, #tpu.memory_space<vmem>> -> memref<320x64xf32, #tpu.memory_space<vmem>>
    %dma_wait3A_136 = arith.constant 0 : i32
    %dma_wait3A_137 = tpu.memref_slice %arg9[%dma_wait3A_136] : memref<800xi32, #tpu.memory_space<vmem>> -> memref<320xi32, #tpu.memory_space<vmem>>
    %dma_wait3A_138 = arith.constant 0 : i32
    %dma_wait3A_139 = arith.constant 0 : i32
    %dma_wait3A_140 = tpu.memref_slice %arg5[%dma_wait3A_138, %dma_wait3A_139] : memref<100000x64xf32, #tpu.memory_space<hbm>> -> memref<100000x64xf32, #tpu.memory_space<hbm>>
    tpu.wait_indirect_dma semaphore(%arg15 : memref<!tpu.dma_semaphore, #tpu.memory_space<semaphore_mem>>) src(%dma_wait3A_140 : memref<100000x64xf32, #tpu.memory_space<hbm>>) dst(%dma_wait3A_135 : memref<320x64xf32, #tpu.memory_space<vmem>>)
    %add3A_141 = arith.constant 640 : i32
    %add3A_142 = arith.addi %mul3A_2, %add3A_141 : i32
    %dma_start3A_143 = arith.constant 0 : i32
    %dma_start3A_144 = arith.constant 0 : i32
    %dma_start3A_145 = tpu.memref_slice %arg11[%dma_start3A_143, %dma_start3A_144] : memref<800x64xf32, #tpu.memory_space<vmem>> -> memref<320x64xf32, #tpu.memory_space<vmem>>
    %dma_start3A_146 = arith.constant 0 : i32
    %dma_start3A_147 = tpu.memref_slice %arg6[%add3A_142, %dma_start3A_146] : memref<40960x64xf32, #tpu.memory_space<hbm>> -> memref<320x64xf32, #tpu.memory_space<hbm>>
    %dma_start3A_148 = arith.constant 0 : i32
    %dma_start3A_149 = tpu.memref_slice %arg6[%add3A_142, %dma_start3A_148] : memref<40960x64xf32, #tpu.memory_space<hbm>> -> memref<320x64xf32, #tpu.memory_space<hbm>>
    %dma_start3A_150 = arith.constant 0 : i32
    %dma_start3A_151 = arith.constant 0 : i32
    %dma_start3A_152 = tpu.memref_slice %arg11[%dma_start3A_150, %dma_start3A_151] : memref<800x64xf32, #tpu.memory_space<vmem>> -> memref<320x64xf32, #tpu.memory_space<vmem>>
    tpu.enqueue_dma source(%dma_start3A_152 : memref<320x64xf32, #tpu.memory_space<vmem>>) target(%dma_start3A_149 : memref<320x64xf32, #tpu.memory_space<hbm>>) target_semaphore(%arg17 : memref<!tpu.dma_semaphore, #tpu.memory_space<semaphore_mem>>)
    %dma_wait3A_153 = arith.constant 0 : i32
    %dma_wait3A_154 = arith.constant 0 : i32
    %dma_wait3A_155 = tpu.memref_slice %arg12[%dma_wait3A_153, %dma_wait3A_154] : memref<800x64xf32, #tpu.memory_space<vmem>> -> memref<320x64xf32, #tpu.memory_space<vmem>>
    %dma_wait3A_156 = arith.constant 0 : i32
    %dma_wait3A_157 = arith.constant 0 : i32
    %dma_wait3A_158 = tpu.memref_slice %arg6[%dma_wait3A_156, %dma_wait3A_157] : memref<40960x64xf32, #tpu.memory_space<hbm>> -> memref<320x64xf32, #tpu.memory_space<hbm>>
    %dma_wait3A_159 = arith.constant 0 : i32
    %dma_wait3A_160 = arith.constant 0 : i32
    %dma_wait3A_161 = tpu.memref_slice %arg6[%dma_wait3A_159, %dma_wait3A_160] : memref<40960x64xf32, #tpu.memory_space<hbm>> -> memref<320x64xf32, #tpu.memory_space<hbm>>
    %dma_wait3A_162 = arith.constant 0 : i32
    %dma_wait3A_163 = arith.constant 0 : i32
    %dma_wait3A_164 = tpu.memref_slice %arg12[%dma_wait3A_162, %dma_wait3A_163] : memref<800x64xf32, #tpu.memory_space<vmem>> -> memref<320x64xf32, #tpu.memory_space<vmem>>
    tpu.wait_dma2 semaphore(%arg18 : memref<!tpu.dma_semaphore, #tpu.memory_space<semaphore_mem>>) src(%dma_wait3A_164 : memref<320x64xf32, #tpu.memory_space<vmem>>) dst(%dma_wait3A_161 : memref<320x64xf32, #tpu.memory_space<hbm>>)
    %dma_wait3A_165 = arith.constant 0 : i32
    %dma_wait3A_166 = tpu.memref_slice %arg10[%dma_wait3A_165] : memref<800xi32, #tpu.memory_space<vmem>> -> memref<320xi32, #tpu.memory_space<vmem>>
    %dma_wait3A_167 = arith.constant 0 : i32
    %dma_wait3A_168 = tpu.memref_slice %arg2[%dma_wait3A_167] : memref<40960xi32, #tpu.memory_space<hbm>> -> memref<320xi32, #tpu.memory_space<hbm>>
    %dma_wait3A_169 = arith.constant 0 : i32
    %dma_wait3A_170 = tpu.memref_slice %arg10[%dma_wait3A_169] : memref<800xi32, #tpu.memory_space<vmem>> -> memref<320xi32, #tpu.memory_space<vmem>>
    %dma_wait3A_171 = arith.constant 0 : i32
    %dma_wait3A_172 = tpu.memref_slice %arg2[%dma_wait3A_171] : memref<40960xi32, #tpu.memory_space<hbm>> -> memref<320xi32, #tpu.memory_space<hbm>>
    tpu.wait_dma2 semaphore(%arg14 : memref<!tpu.dma_semaphore, #tpu.memory_space<semaphore_mem>>) src(%dma_wait3A_172 : memref<320xi32, #tpu.memory_space<hbm>>) dst(%dma_wait3A_170 : memref<320xi32, #tpu.memory_space<vmem>>)
    %dma_start3A_173 = arith.constant 0 : i32
    %dma_start3A_174 = arith.constant 0 : i32
    %dma_start3A_175 = tpu.memref_slice %arg12[%dma_start3A_173, %dma_start3A_174] : memref<800x64xf32, #tpu.memory_space<vmem>> -> memref<320x64xf32, #tpu.memory_space<vmem>>
    %dma_start3A_176 = arith.constant 0 : i32
    %dma_start3A_177 = tpu.memref_slice %arg10[%dma_start3A_176] : memref<800xi32, #tpu.memory_space<vmem>> -> memref<320xi32, #tpu.memory_space<vmem>>
    %dma_start3A_178 = arith.constant 0 : i32
    %dma_start3A_179 = arith.constant 0 : i32
    %dma_start3A_180 = tpu.memref_slice %arg5[%dma_start3A_178, %dma_start3A_179] : memref<100000x64xf32, #tpu.memory_space<hbm>> -> memref<100000x64xf32, #tpu.memory_space<hbm>>
    tpu.enqueue_indirect_dma source(%dma_start3A_180 : memref<100000x64xf32, #tpu.memory_space<hbm>>) target(%dma_start3A_175 : memref<320x64xf32, #tpu.memory_space<vmem>>) offsets(%dma_start3A_177 : memref<320xi32, #tpu.memory_space<vmem>>) semaphore(%arg16 : memref<!tpu.dma_semaphore, #tpu.memory_space<semaphore_mem>>)
    %dma_wait3A_181 = arith.constant 0 : i32
    %dma_wait3A_182 = arith.constant 0 : i32
    %dma_wait3A_183 = tpu.memref_slice %arg12[%dma_wait3A_181, %dma_wait3A_182] : memref<800x64xf32, #tpu.memory_space<vmem>> -> memref<320x64xf32, #tpu.memory_space<vmem>>
    %dma_wait3A_184 = arith.constant 0 : i32
    %dma_wait3A_185 = tpu.memref_slice %arg10[%dma_wait3A_184] : memref<800xi32, #tpu.memory_space<vmem>> -> memref<320xi32, #tpu.memory_space<vmem>>
    %dma_wait3A_186 = arith.constant 0 : i32
    %dma_wait3A_187 = arith.constant 0 : i32
    %dma_wait3A_188 = tpu.memref_slice %arg5[%dma_wait3A_186, %dma_wait3A_187] : memref<100000x64xf32, #tpu.memory_space<hbm>> -> memref<100000x64xf32, #tpu.memory_space<hbm>>
    tpu.wait_indirect_dma semaphore(%arg16 : memref<!tpu.dma_semaphore, #tpu.memory_space<semaphore_mem>>) src(%dma_wait3A_188 : memref<100000x64xf32, #tpu.memory_space<hbm>>) dst(%dma_wait3A_183 : memref<320x64xf32, #tpu.memory_space<vmem>>)
    %add3A_189 = arith.constant 960 : i32
    %add3A_190 = arith.addi %mul3A_2, %add3A_189 : i32
    %dma_start3A_191 = arith.constant 0 : i32
    %dma_start3A_192 = arith.constant 0 : i32
    %dma_start3A_193 = tpu.memref_slice %arg12[%dma_start3A_191, %dma_start3A_192] : memref<800x64xf32, #tpu.memory_space<vmem>> -> memref<320x64xf32, #tpu.memory_space<vmem>>
    %dma_start3A_194 = arith.constant 0 : i32
    %dma_start3A_195 = tpu.memref_slice %arg6[%add3A_190, %dma_start3A_194] : memref<40960x64xf32, #tpu.memory_space<hbm>> -> memref<320x64xf32, #tpu.memory_space<hbm>>
    %dma_start3A_196 = arith.constant 0 : i32
    %dma_start3A_197 = tpu.memref_slice %arg6[%add3A_190, %dma_start3A_196] : memref<40960x64xf32, #tpu.memory_space<hbm>> -> memref<320x64xf32, #tpu.memory_space<hbm>>
    %dma_start3A_198 = arith.constant 0 : i32
    %dma_start3A_199 = arith.constant 0 : i32
    %dma_start3A_200 = tpu.memref_slice %arg12[%dma_start3A_198, %dma_start3A_199] : memref<800x64xf32, #tpu.memory_space<vmem>> -> memref<320x64xf32, #tpu.memory_space<vmem>>
    tpu.enqueue_dma source(%dma_start3A_200 : memref<320x64xf32, #tpu.memory_space<vmem>>) target(%dma_start3A_197 : memref<320x64xf32, #tpu.memory_space<hbm>>) target_semaphore(%arg18 : memref<!tpu.dma_semaphore, #tpu.memory_space<semaphore_mem>>)
    %dma_wait3A_201 = arith.constant 0 : i32
    %dma_wait3A_202 = arith.constant 0 : i32
    %dma_wait3A_203 = tpu.memref_slice %arg11[%dma_wait3A_201, %dma_wait3A_202] : memref<800x64xf32, #tpu.memory_space<vmem>> -> memref<320x64xf32, #tpu.memory_space<vmem>>
    %dma_wait3A_204 = arith.constant 0 : i32
    %dma_wait3A_205 = arith.constant 0 : i32
    %dma_wait3A_206 = tpu.memref_slice %arg6[%dma_wait3A_204, %dma_wait3A_205] : memref<40960x64xf32, #tpu.memory_space<hbm>> -> memref<320x64xf32, #tpu.memory_space<hbm>>
    %dma_wait3A_207 = arith.constant 0 : i32
    %dma_wait3A_208 = arith.constant 0 : i32
    %dma_wait3A_209 = tpu.memref_slice %arg6[%dma_wait3A_207, %dma_wait3A_208] : memref<40960x64xf32, #tpu.memory_space<hbm>> -> memref<320x64xf32, #tpu.memory_space<hbm>>
    %dma_wait3A_210 = arith.constant 0 : i32
    %dma_wait3A_211 = arith.constant 0 : i32
    %dma_wait3A_212 = tpu.memref_slice %arg11[%dma_wait3A_210, %dma_wait3A_211] : memref<800x64xf32, #tpu.memory_space<vmem>> -> memref<320x64xf32, #tpu.memory_space<vmem>>
    tpu.wait_dma2 semaphore(%arg17 : memref<!tpu.dma_semaphore, #tpu.memory_space<semaphore_mem>>) src(%dma_wait3A_212 : memref<320x64xf32, #tpu.memory_space<vmem>>) dst(%dma_wait3A_209 : memref<320x64xf32, #tpu.memory_space<hbm>>)
    %dma_wait3A_213 = arith.constant 0 : i32
    %dma_wait3A_214 = arith.constant 0 : i32
    %dma_wait3A_215 = tpu.memref_slice %arg12[%dma_wait3A_213, %dma_wait3A_214] : memref<800x64xf32, #tpu.memory_space<vmem>> -> memref<320x64xf32, #tpu.memory_space<vmem>>
    %dma_wait3A_216 = arith.constant 0 : i32
    %dma_wait3A_217 = arith.constant 0 : i32
    %dma_wait3A_218 = tpu.memref_slice %arg6[%dma_wait3A_216, %dma_wait3A_217] : memref<40960x64xf32, #tpu.memory_space<hbm>> -> memref<320x64xf32, #tpu.memory_space<hbm>>
    %dma_wait3A_219 = arith.constant 0 : i32
    %dma_wait3A_220 = arith.constant 0 : i32
    %dma_wait3A_221 = tpu.memref_slice %arg6[%dma_wait3A_219, %dma_wait3A_220] : memref<40960x64xf32, #tpu.memory_space<hbm>> -> memref<320x64xf32, #tpu.memory_space<hbm>>
    %dma_wait3A_222 = arith.constant 0 : i32
    %dma_wait3A_223 = arith.constant 0 : i32
    %dma_wait3A_224 = tpu.memref_slice %arg12[%dma_wait3A_222, %dma_wait3A_223] : memref<800x64xf32, #tpu.memory_space<vmem>> -> memref<320x64xf32, #tpu.memory_space<vmem>>
    tpu.wait_dma2 semaphore(%arg18 : memref<!tpu.dma_semaphore, #tpu.memory_space<semaphore_mem>>) src(%dma_wait3A_224 : memref<320x64xf32, #tpu.memory_space<vmem>>) dst(%dma_wait3A_221 : memref<320x64xf32, #tpu.memory_space<hbm>>)
    %mul3A_225 = arith.constant 128 : i32
    %mul3A_226 = arith.muli %add3A, %mul3A_225 : i32
    %add3A_227 = arith.constant 0 : i32
    %add3A_228 = arith.addi %mul3A_226, %add3A_227 : i32
    %dma_start3A_229 = arith.constant 0 : i32
    %dma_start3A_230 = tpu.memref_slice %arg9[%dma_start3A_229] : memref<800xi32, #tpu.memory_space<vmem>> -> memref<128xi32, #tpu.memory_space<vmem>>
    %dma_start3A_231 = tpu.memref_slice %arg3[%add3A_228] : memref<4096xi32, #tpu.memory_space<hbm>> -> memref<128xi32, #tpu.memory_space<hbm>>
    %dma_start3A_232 = arith.constant 0 : i32
    %dma_start3A_233 = tpu.memref_slice %arg9[%dma_start3A_232] : memref<800xi32, #tpu.memory_space<vmem>> -> memref<128xi32, #tpu.memory_space<vmem>>
    %dma_start3A_234 = tpu.memref_slice %arg3[%add3A_228] : memref<4096xi32, #tpu.memory_space<hbm>> -> memref<128xi32, #tpu.memory_space<hbm>>
    tpu.enqueue_dma source(%dma_start3A_234 : memref<128xi32, #tpu.memory_space<hbm>>) target(%dma_start3A_233 : memref<128xi32, #tpu.memory_space<vmem>>) target_semaphore(%arg13 : memref<!tpu.dma_semaphore, #tpu.memory_space<semaphore_mem>>)
    %dma_wait3A_235 = arith.constant 0 : i32
    %dma_wait3A_236 = tpu.memref_slice %arg9[%dma_wait3A_235] : memref<800xi32, #tpu.memory_space<vmem>> -> memref<128xi32, #tpu.memory_space<vmem>>
    %dma_wait3A_237 = arith.constant 0 : i32
    %dma_wait3A_238 = tpu.memref_slice %arg3[%dma_wait3A_237] : memref<4096xi32, #tpu.memory_space<hbm>> -> memref<128xi32, #tpu.memory_space<hbm>>
    %dma_wait3A_239 = arith.constant 0 : i32
    %dma_wait3A_240 = tpu.memref_slice %arg9[%dma_wait3A_239] : memref<800xi32, #tpu.memory_space<vmem>> -> memref<128xi32, #tpu.memory_space<vmem>>
    %dma_wait3A_241 = arith.constant 0 : i32
    %dma_wait3A_242 = tpu.memref_slice %arg3[%dma_wait3A_241] : memref<4096xi32, #tpu.memory_space<hbm>> -> memref<128xi32, #tpu.memory_space<hbm>>
    tpu.wait_dma2 semaphore(%arg13 : memref<!tpu.dma_semaphore, #tpu.memory_space<semaphore_mem>>) src(%dma_wait3A_242 : memref<128xi32, #tpu.memory_space<hbm>>) dst(%dma_wait3A_240 : memref<128xi32, #tpu.memory_space<vmem>>)
    %dma_start3A_243 = arith.constant 0 : i32
    %dma_start3A_244 = arith.constant 0 : i32
    %dma_start3A_245 = tpu.memref_slice %arg11[%dma_start3A_243, %dma_start3A_244] : memref<800x64xf32, #tpu.memory_space<vmem>> -> memref<128x64xf32, #tpu.memory_space<vmem>>
    %dma_start3A_246 = arith.constant 0 : i32
    %dma_start3A_247 = tpu.memref_slice %arg9[%dma_start3A_246] : memref<800xi32, #tpu.memory_space<vmem>> -> memref<128xi32, #tpu.memory_space<vmem>>
    %dma_start3A_248 = arith.constant 0 : i32
    %dma_start3A_249 = arith.constant 0 : i32
    %dma_start3A_250 = tpu.memref_slice %arg5[%dma_start3A_248, %dma_start3A_249] : memref<100000x64xf32, #tpu.memory_space<hbm>> -> memref<100000x64xf32, #tpu.memory_space<hbm>>
    tpu.enqueue_indirect_dma source(%dma_start3A_250 : memref<100000x64xf32, #tpu.memory_space<hbm>>) target(%dma_start3A_245 : memref<128x64xf32, #tpu.memory_space<vmem>>) offsets(%dma_start3A_247 : memref<128xi32, #tpu.memory_space<vmem>>) semaphore(%arg15 : memref<!tpu.dma_semaphore, #tpu.memory_space<semaphore_mem>>)
    %dma_wait3A_251 = arith.constant 0 : i32
    %dma_wait3A_252 = arith.constant 0 : i32
    %dma_wait3A_253 = tpu.memref_slice %arg11[%dma_wait3A_251, %dma_wait3A_252] : memref<800x64xf32, #tpu.memory_space<vmem>> -> memref<128x64xf32, #tpu.memory_space<vmem>>
    %dma_wait3A_254 = arith.constant 0 : i32
    %dma_wait3A_255 = tpu.memref_slice %arg9[%dma_wait3A_254] : memref<800xi32, #tpu.memory_space<vmem>> -> memref<128xi32, #tpu.memory_space<vmem>>
    %dma_wait3A_256 = arith.constant 0 : i32
    %dma_wait3A_257 = arith.constant 0 : i32
    %dma_wait3A_258 = tpu.memref_slice %arg5[%dma_wait3A_256, %dma_wait3A_257] : memref<100000x64xf32, #tpu.memory_space<hbm>> -> memref<100000x64xf32, #tpu.memory_space<hbm>>
    tpu.wait_indirect_dma semaphore(%arg15 : memref<!tpu.dma_semaphore, #tpu.memory_space<semaphore_mem>>) src(%dma_wait3A_258 : memref<100000x64xf32, #tpu.memory_space<hbm>>) dst(%dma_wait3A_253 : memref<128x64xf32, #tpu.memory_space<vmem>>)
    %add3A_259 = arith.constant 0 : i32
    %add3A_260 = arith.addi %mul3A_226, %add3A_259 : i32
    %dma_start3A_261 = arith.constant 0 : i32
    %dma_start3A_262 = arith.constant 0 : i32
    %dma_start3A_263 = tpu.memref_slice %arg11[%dma_start3A_261, %dma_start3A_262] : memref<800x64xf32, #tpu.memory_space<vmem>> -> memref<128x64xf32, #tpu.memory_space<vmem>>
    %dma_start3A_264 = arith.constant 0 : i32
    %dma_start3A_265 = tpu.memref_slice %arg7[%add3A_260, %dma_start3A_264] : memref<4096x64xf32, #tpu.memory_space<hbm>> -> memref<128x64xf32, #tpu.memory_space<hbm>>
    %dma_start3A_266 = arith.constant 0 : i32
    %dma_start3A_267 = tpu.memref_slice %arg7[%add3A_260, %dma_start3A_266] : memref<4096x64xf32, #tpu.memory_space<hbm>> -> memref<128x64xf32, #tpu.memory_space<hbm>>
    %dma_start3A_268 = arith.constant 0 : i32
    %dma_start3A_269 = arith.constant 0 : i32
    %dma_start3A_270 = tpu.memref_slice %arg11[%dma_start3A_268, %dma_start3A_269] : memref<800x64xf32, #tpu.memory_space<vmem>> -> memref<128x64xf32, #tpu.memory_space<vmem>>
    tpu.enqueue_dma source(%dma_start3A_270 : memref<128x64xf32, #tpu.memory_space<vmem>>) target(%dma_start3A_267 : memref<128x64xf32, #tpu.memory_space<hbm>>) target_semaphore(%arg17 : memref<!tpu.dma_semaphore, #tpu.memory_space<semaphore_mem>>)
    %dma_wait3A_271 = arith.constant 0 : i32
    %dma_wait3A_272 = arith.constant 0 : i32
    %dma_wait3A_273 = tpu.memref_slice %arg11[%dma_wait3A_271, %dma_wait3A_272] : memref<800x64xf32, #tpu.memory_space<vmem>> -> memref<128x64xf32, #tpu.memory_space<vmem>>
    %dma_wait3A_274 = arith.constant 0 : i32
    %dma_wait3A_275 = arith.constant 0 : i32
    %dma_wait3A_276 = tpu.memref_slice %arg7[%dma_wait3A_274, %dma_wait3A_275] : memref<4096x64xf32, #tpu.memory_space<hbm>> -> memref<128x64xf32, #tpu.memory_space<hbm>>
    %dma_wait3A_277 = arith.constant 0 : i32
    %dma_wait3A_278 = arith.constant 0 : i32
    %dma_wait3A_279 = tpu.memref_slice %arg7[%dma_wait3A_277, %dma_wait3A_278] : memref<4096x64xf32, #tpu.memory_space<hbm>> -> memref<128x64xf32, #tpu.memory_space<hbm>>
    %dma_wait3A_280 = arith.constant 0 : i32
    %dma_wait3A_281 = arith.constant 0 : i32
    %dma_wait3A_282 = tpu.memref_slice %arg11[%dma_wait3A_280, %dma_wait3A_281] : memref<800x64xf32, #tpu.memory_space<vmem>> -> memref<128x64xf32, #tpu.memory_space<vmem>>
    tpu.wait_dma2 semaphore(%arg17 : memref<!tpu.dma_semaphore, #tpu.memory_space<semaphore_mem>>) src(%dma_wait3A_282 : memref<128x64xf32, #tpu.memory_space<vmem>>) dst(%dma_wait3A_279 : memref<128x64xf32, #tpu.memory_space<hbm>>)
    %mul3A_283 = arith.constant 6400 : i32
    %mul3A_284 = arith.muli %add3A, %mul3A_283 : i32
    %add3A_285 = arith.constant 0 : i32
    %add3A_286 = arith.addi %mul3A_284, %add3A_285 : i32
    %dma_start3A_287 = arith.constant 0 : i32
    %dma_start3A_288 = tpu.memref_slice %arg9[%dma_start3A_287] : memref<800xi32, #tpu.memory_space<vmem>> -> memref<800xi32, #tpu.memory_space<vmem>>
    %dma_start3A_289 = tpu.memref_slice %arg4[%add3A_286] : memref<204800xi32, #tpu.memory_space<hbm>> -> memref<800xi32, #tpu.memory_space<hbm>>
    %dma_start3A_290 = arith.constant 0 : i32
    %dma_start3A_291 = tpu.memref_slice %arg9[%dma_start3A_290] : memref<800xi32, #tpu.memory_space<vmem>> -> memref<800xi32, #tpu.memory_space<vmem>>
    %dma_start3A_292 = tpu.memref_slice %arg4[%add3A_286] : memref<204800xi32, #tpu.memory_space<hbm>> -> memref<800xi32, #tpu.memory_space<hbm>>
    tpu.enqueue_dma source(%dma_start3A_292 : memref<800xi32, #tpu.memory_space<hbm>>) target(%dma_start3A_291 : memref<800xi32, #tpu.memory_space<vmem>>) target_semaphore(%arg13 : memref<!tpu.dma_semaphore, #tpu.memory_space<semaphore_mem>>)
    %add3A_293 = arith.constant 800 : i32
    %add3A_294 = arith.addi %mul3A_284, %add3A_293 : i32
    %dma_start3A_295 = arith.constant 0 : i32
    %dma_start3A_296 = tpu.memref_slice %arg10[%dma_start3A_295] : memref<800xi32, #tpu.memory_space<vmem>> -> memref<800xi32, #tpu.memory_space<vmem>>
    %dma_start3A_297 = tpu.memref_slice %arg4[%add3A_294] : memref<204800xi32, #tpu.memory_space<hbm>> -> memref<800xi32, #tpu.memory_space<hbm>>
    %dma_start3A_298 = arith.constant 0 : i32
    %dma_start3A_299 = tpu.memref_slice %arg10[%dma_start3A_298] : memref<800xi32, #tpu.memory_space<vmem>> -> memref<800xi32, #tpu.memory_space<vmem>>
    %dma_start3A_300 = tpu.memref_slice %arg4[%add3A_294] : memref<204800xi32, #tpu.memory_space<hbm>> -> memref<800xi32, #tpu.memory_space<hbm>>
    tpu.enqueue_dma source(%dma_start3A_300 : memref<800xi32, #tpu.memory_space<hbm>>) target(%dma_start3A_299 : memref<800xi32, #tpu.memory_space<vmem>>) target_semaphore(%arg14 : memref<!tpu.dma_semaphore, #tpu.memory_space<semaphore_mem>>)
    %dma_wait3A_301 = arith.constant 0 : i32
    %dma_wait3A_302 = tpu.memref_slice %arg9[%dma_wait3A_301] : memref<800xi32, #tpu.memory_space<vmem>> -> memref<800xi32, #tpu.memory_space<vmem>>
    %dma_wait3A_303 = arith.constant 0 : i32
    %dma_wait3A_304 = tpu.memref_slice %arg4[%dma_wait3A_303] : memref<204800xi32, #tpu.memory_space<hbm>> -> memref<800xi32, #tpu.memory_space<hbm>>
    %dma_wait3A_305 = arith.constant 0 : i32
    %dma_wait3A_306 = tpu.memref_slice %arg9[%dma_wait3A_305] : memref<800xi32, #tpu.memory_space<vmem>> -> memref<800xi32, #tpu.memory_space<vmem>>
    %dma_wait3A_307 = arith.constant 0 : i32
    %dma_wait3A_308 = tpu.memref_slice %arg4[%dma_wait3A_307] : memref<204800xi32, #tpu.memory_space<hbm>> -> memref<800xi32, #tpu.memory_space<hbm>>
    tpu.wait_dma2 semaphore(%arg13 : memref<!tpu.dma_semaphore, #tpu.memory_space<semaphore_mem>>) src(%dma_wait3A_308 : memref<800xi32, #tpu.memory_space<hbm>>) dst(%dma_wait3A_306 : memref<800xi32, #tpu.memory_space<vmem>>)
    %dma_start3A_309 = arith.constant 0 : i32
    %dma_start3A_310 = arith.constant 0 : i32
    %dma_start3A_311 = tpu.memref_slice %arg11[%dma_start3A_309, %dma_start3A_310] : memref<800x64xf32, #tpu.memory_space<vmem>> -> memref<800x64xf32, #tpu.memory_space<vmem>>
    %dma_start3A_312 = arith.constant 0 : i32
    %dma_start3A_313 = tpu.memref_slice %arg9[%dma_start3A_312] : memref<800xi32, #tpu.memory_space<vmem>> -> memref<800xi32, #tpu.memory_space<vmem>>
    %dma_start3A_314 = arith.constant 0 : i32
    %dma_start3A_315 = arith.constant 0 : i32
    %dma_start3A_316 = tpu.memref_slice %arg5[%dma_start3A_314, %dma_start3A_315] : memref<100000x64xf32, #tpu.memory_space<hbm>> -> memref<100000x64xf32, #tpu.memory_space<hbm>>
    tpu.enqueue_indirect_dma source(%dma_start3A_316 : memref<100000x64xf32, #tpu.memory_space<hbm>>) target(%dma_start3A_311 : memref<800x64xf32, #tpu.memory_space<vmem>>) offsets(%dma_start3A_313 : memref<800xi32, #tpu.memory_space<vmem>>) semaphore(%arg15 : memref<!tpu.dma_semaphore, #tpu.memory_space<semaphore_mem>>)
    %dma_wait3A_317 = arith.constant 0 : i32
    %dma_wait3A_318 = arith.constant 0 : i32
    %dma_wait3A_319 = tpu.memref_slice %arg11[%dma_wait3A_317, %dma_wait3A_318] : memref<800x64xf32, #tpu.memory_space<vmem>> -> memref<800x64xf32, #tpu.memory_space<vmem>>
    %dma_wait3A_320 = arith.constant 0 : i32
    %dma_wait3A_321 = tpu.memref_slice %arg9[%dma_wait3A_320] : memref<800xi32, #tpu.memory_space<vmem>> -> memref<800xi32, #tpu.memory_space<vmem>>
    %dma_wait3A_322 = arith.constant 0 : i32
    %dma_wait3A_323 = arith.constant 0 : i32
    %dma_wait3A_324 = tpu.memref_slice %arg5[%dma_wait3A_322, %dma_wait3A_323] : memref<100000x64xf32, #tpu.memory_space<hbm>> -> memref<100000x64xf32, #tpu.memory_space<hbm>>
    tpu.wait_indirect_dma semaphore(%arg15 : memref<!tpu.dma_semaphore, #tpu.memory_space<semaphore_mem>>) src(%dma_wait3A_324 : memref<100000x64xf32, #tpu.memory_space<hbm>>) dst(%dma_wait3A_319 : memref<800x64xf32, #tpu.memory_space<vmem>>)
    %add3A_325 = arith.constant 1600 : i32
    %add3A_326 = arith.addi %mul3A_284, %add3A_325 : i32
    %dma_start3A_327 = arith.constant 0 : i32
    %dma_start3A_328 = tpu.memref_slice %arg9[%dma_start3A_327] : memref<800xi32, #tpu.memory_space<vmem>> -> memref<800xi32, #tpu.memory_space<vmem>>
    %dma_start3A_329 = tpu.memref_slice %arg4[%add3A_326] : memref<204800xi32, #tpu.memory_space<hbm>> -> memref<800xi32, #tpu.memory_space<hbm>>
    %dma_start3A_330 = arith.constant 0 : i32
    %dma_start3A_331 = tpu.memref_slice %arg9[%dma_start3A_330] : memref<800xi32, #tpu.memory_space<vmem>> -> memref<800xi32, #tpu.memory_space<vmem>>
    %dma_start3A_332 = tpu.memref_slice %arg4[%add3A_326] : memref<204800xi32, #tpu.memory_space<hbm>> -> memref<800xi32, #tpu.memory_space<hbm>>
    tpu.enqueue_dma source(%dma_start3A_332 : memref<800xi32, #tpu.memory_space<hbm>>) target(%dma_start3A_331 : memref<800xi32, #tpu.memory_space<vmem>>) target_semaphore(%arg13 : memref<!tpu.dma_semaphore, #tpu.memory_space<semaphore_mem>>)
    %add3A_333 = arith.constant 0 : i32
    %add3A_334 = arith.addi %mul3A_284, %add3A_333 : i32
    %dma_start3A_335 = arith.constant 0 : i32
    %dma_start3A_336 = arith.constant 0 : i32
    %dma_start3A_337 = tpu.memref_slice %arg11[%dma_start3A_335, %dma_start3A_336] : memref<800x64xf32, #tpu.memory_space<vmem>> -> memref<800x64xf32, #tpu.memory_space<vmem>>
    %dma_start3A_338 = arith.constant 0 : i32
    %dma_start3A_339 = tpu.memref_slice %arg8[%add3A_334, %dma_start3A_338] : memref<204800x64xf32, #tpu.memory_space<hbm>> -> memref<800x64xf32, #tpu.memory_space<hbm>>
    %dma_start3A_340 = arith.constant 0 : i32
    %dma_start3A_341 = tpu.memref_slice %arg8[%add3A_334, %dma_start3A_340] : memref<204800x64xf32, #tpu.memory_space<hbm>> -> memref<800x64xf32, #tpu.memory_space<hbm>>
    %dma_start3A_342 = arith.constant 0 : i32
    %dma_start3A_343 = arith.constant 0 : i32
    %dma_start3A_344 = tpu.memref_slice %arg11[%dma_start3A_342, %dma_start3A_343] : memref<800x64xf32, #tpu.memory_space<vmem>> -> memref<800x64xf32, #tpu.memory_space<vmem>>
    tpu.enqueue_dma source(%dma_start3A_344 : memref<800x64xf32, #tpu.memory_space<vmem>>) target(%dma_start3A_341 : memref<800x64xf32, #tpu.memory_space<hbm>>) target_semaphore(%arg17 : memref<!tpu.dma_semaphore, #tpu.memory_space<semaphore_mem>>)
    %dma_wait3A_345 = arith.constant 0 : i32
    %dma_wait3A_346 = tpu.memref_slice %arg10[%dma_wait3A_345] : memref<800xi32, #tpu.memory_space<vmem>> -> memref<800xi32, #tpu.memory_space<vmem>>
    %dma_wait3A_347 = arith.constant 0 : i32
    %dma_wait3A_348 = tpu.memref_slice %arg4[%dma_wait3A_347] : memref<204800xi32, #tpu.memory_space<hbm>> -> memref<800xi32, #tpu.memory_space<hbm>>
    %dma_wait3A_349 = arith.constant 0 : i32
    %dma_wait3A_350 = tpu.memref_slice %arg10[%dma_wait3A_349] : memref<800xi32, #tpu.memory_space<vmem>> -> memref<800xi32, #tpu.memory_space<vmem>>
    %dma_wait3A_351 = arith.constant 0 : i32
    %dma_wait3A_352 = tpu.memref_slice %arg4[%dma_wait3A_351] : memref<204800xi32, #tpu.memory_space<hbm>> -> memref<800xi32, #tpu.memory_space<hbm>>
    tpu.wait_dma2 semaphore(%arg14 : memref<!tpu.dma_semaphore, #tpu.memory_space<semaphore_mem>>) src(%dma_wait3A_352 : memref<800xi32, #tpu.memory_space<hbm>>) dst(%dma_wait3A_350 : memref<800xi32, #tpu.memory_space<vmem>>)
    %dma_start3A_353 = arith.constant 0 : i32
    %dma_start3A_354 = arith.constant 0 : i32
    %dma_start3A_355 = tpu.memref_slice %arg12[%dma_start3A_353, %dma_start3A_354] : memref<800x64xf32, #tpu.memory_space<vmem>> -> memref<800x64xf32, #tpu.memory_space<vmem>>
    %dma_start3A_356 = arith.constant 0 : i32
    %dma_start3A_357 = tpu.memref_slice %arg10[%dma_start3A_356] : memref<800xi32, #tpu.memory_space<vmem>> -> memref<800xi32, #tpu.memory_space<vmem>>
    %dma_start3A_358 = arith.constant 0 : i32
    %dma_start3A_359 = arith.constant 0 : i32
    %dma_start3A_360 = tpu.memref_slice %arg5[%dma_start3A_358, %dma_start3A_359] : memref<100000x64xf32, #tpu.memory_space<hbm>> -> memref<100000x64xf32, #tpu.memory_space<hbm>>
    tpu.enqueue_indirect_dma source(%dma_start3A_360 : memref<100000x64xf32, #tpu.memory_space<hbm>>) target(%dma_start3A_355 : memref<800x64xf32, #tpu.memory_space<vmem>>) offsets(%dma_start3A_357 : memref<800xi32, #tpu.memory_space<vmem>>) semaphore(%arg16 : memref<!tpu.dma_semaphore, #tpu.memory_space<semaphore_mem>>)
    %dma_wait3A_361 = arith.constant 0 : i32
    %dma_wait3A_362 = arith.constant 0 : i32
    %dma_wait3A_363 = tpu.memref_slice %arg12[%dma_wait3A_361, %dma_wait3A_362] : memref<800x64xf32, #tpu.memory_space<vmem>> -> memref<800x64xf32, #tpu.memory_space<vmem>>
    %dma_wait3A_364 = arith.constant 0 : i32
    %dma_wait3A_365 = tpu.memref_slice %arg10[%dma_wait3A_364] : memref<800xi32, #tpu.memory_space<vmem>> -> memref<800xi32, #tpu.memory_space<vmem>>
    %dma_wait3A_366 = arith.constant 0 : i32
    %dma_wait3A_367 = arith.constant 0 : i32
    %dma_wait3A_368 = tpu.memref_slice %arg5[%dma_wait3A_366, %dma_wait3A_367] : memref<100000x64xf32, #tpu.memory_space<hbm>> -> memref<100000x64xf32, #tpu.memory_space<hbm>>
    tpu.wait_indirect_dma semaphore(%arg16 : memref<!tpu.dma_semaphore, #tpu.memory_space<semaphore_mem>>) src(%dma_wait3A_368 : memref<100000x64xf32, #tpu.memory_space<hbm>>) dst(%dma_wait3A_363 : memref<800x64xf32, #tpu.memory_space<vmem>>)
    %add3A_369 = arith.constant 2400 : i32
    %add3A_370 = arith.addi %mul3A_284, %add3A_369 : i32
    %dma_start3A_371 = arith.constant 0 : i32
    %dma_start3A_372 = tpu.memref_slice %arg10[%dma_start3A_371] : memref<800xi32, #tpu.memory_space<vmem>> -> memref<800xi32, #tpu.memory_space<vmem>>
    %dma_start3A_373 = tpu.memref_slice %arg4[%add3A_370] : memref<204800xi32, #tpu.memory_space<hbm>> -> memref<800xi32, #tpu.memory_space<hbm>>
    %dma_start3A_374 = arith.constant 0 : i32
    %dma_start3A_375 = tpu.memref_slice %arg10[%dma_start3A_374] : memref<800xi32, #tpu.memory_space<vmem>> -> memref<800xi32, #tpu.memory_space<vmem>>
    %dma_start3A_376 = tpu.memref_slice %arg4[%add3A_370] : memref<204800xi32, #tpu.memory_space<hbm>> -> memref<800xi32, #tpu.memory_space<hbm>>
    tpu.enqueue_dma source(%dma_start3A_376 : memref<800xi32, #tpu.memory_space<hbm>>) target(%dma_start3A_375 : memref<800xi32, #tpu.memory_space<vmem>>) target_semaphore(%arg14 : memref<!tpu.dma_semaphore, #tpu.memory_space<semaphore_mem>>)
    %add3A_377 = arith.constant 800 : i32
    %add3A_378 = arith.addi %mul3A_284, %add3A_377 : i32
    %dma_start3A_379 = arith.constant 0 : i32
    %dma_start3A_380 = arith.constant 0 : i32
    %dma_start3A_381 = tpu.memref_slice %arg12[%dma_start3A_379, %dma_start3A_380] : memref<800x64xf32, #tpu.memory_space<vmem>> -> memref<800x64xf32, #tpu.memory_space<vmem>>
    %dma_start3A_382 = arith.constant 0 : i32
    %dma_start3A_383 = tpu.memref_slice %arg8[%add3A_378, %dma_start3A_382] : memref<204800x64xf32, #tpu.memory_space<hbm>> -> memref<800x64xf32, #tpu.memory_space<hbm>>
    %dma_start3A_384 = arith.constant 0 : i32
    %dma_start3A_385 = tpu.memref_slice %arg8[%add3A_378, %dma_start3A_384] : memref<204800x64xf32, #tpu.memory_space<hbm>> -> memref<800x64xf32, #tpu.memory_space<hbm>>
    %dma_start3A_386 = arith.constant 0 : i32
    %dma_start3A_387 = arith.constant 0 : i32
    %dma_start3A_388 = tpu.memref_slice %arg12[%dma_start3A_386, %dma_start3A_387] : memref<800x64xf32, #tpu.memory_space<vmem>> -> memref<800x64xf32, #tpu.memory_space<vmem>>
    tpu.enqueue_dma source(%dma_start3A_388 : memref<800x64xf32, #tpu.memory_space<vmem>>) target(%dma_start3A_385 : memref<800x64xf32, #tpu.memory_space<hbm>>) target_semaphore(%arg18 : memref<!tpu.dma_semaphore, #tpu.memory_space<semaphore_mem>>)
    %dma_wait3A_389 = arith.constant 0 : i32
    %dma_wait3A_390 = arith.constant 0 : i32
    %dma_wait3A_391 = tpu.memref_slice %arg11[%dma_wait3A_389, %dma_wait3A_390] : memref<800x64xf32, #tpu.memory_space<vmem>> -> memref<800x64xf32, #tpu.memory_space<vmem>>
    %dma_wait3A_392 = arith.constant 0 : i32
    %dma_wait3A_393 = arith.constant 0 : i32
    %dma_wait3A_394 = tpu.memref_slice %arg8[%dma_wait3A_392, %dma_wait3A_393] : memref<204800x64xf32, #tpu.memory_space<hbm>> -> memref<800x64xf32, #tpu.memory_space<hbm>>
    %dma_wait3A_395 = arith.constant 0 : i32
    %dma_wait3A_396 = arith.constant 0 : i32
    %dma_wait3A_397 = tpu.memref_slice %arg8[%dma_wait3A_395, %dma_wait3A_396] : memref<204800x64xf32, #tpu.memory_space<hbm>> -> memref<800x64xf32, #tpu.memory_space<hbm>>
    %dma_wait3A_398 = arith.constant 0 : i32
    %dma_wait3A_399 = arith.constant 0 : i32
    %dma_wait3A_400 = tpu.memref_slice %arg11[%dma_wait3A_398, %dma_wait3A_399] : memref<800x64xf32, #tpu.memory_space<vmem>> -> memref<800x64xf32, #tpu.memory_space<vmem>>
    tpu.wait_dma2 semaphore(%arg17 : memref<!tpu.dma_semaphore, #tpu.memory_space<semaphore_mem>>) src(%dma_wait3A_400 : memref<800x64xf32, #tpu.memory_space<vmem>>) dst(%dma_wait3A_397 : memref<800x64xf32, #tpu.memory_space<hbm>>)
    %dma_wait3A_401 = arith.constant 0 : i32
    %dma_wait3A_402 = tpu.memref_slice %arg9[%dma_wait3A_401] : memref<800xi32, #tpu.memory_space<vmem>> -> memref<800xi32, #tpu.memory_space<vmem>>
    %dma_wait3A_403 = arith.constant 0 : i32
    %dma_wait3A_404 = tpu.memref_slice %arg4[%dma_wait3A_403] : memref<204800xi32, #tpu.memory_space<hbm>> -> memref<800xi32, #tpu.memory_space<hbm>>
    %dma_wait3A_405 = arith.constant 0 : i32
    %dma_wait3A_406 = tpu.memref_slice %arg9[%dma_wait3A_405] : memref<800xi32, #tpu.memory_space<vmem>> -> memref<800xi32, #tpu.memory_space<vmem>>
    %dma_wait3A_407 = arith.constant 0 : i32
    %dma_wait3A_408 = tpu.memref_slice %arg4[%dma_wait3A_407] : memref<204800xi32, #tpu.memory_space<hbm>> -> memref<800xi32, #tpu.memory_space<hbm>>
    tpu.wait_dma2 semaphore(%arg13 : memref<!tpu.dma_semaphore, #tpu.memory_space<semaphore_mem>>) src(%dma_wait3A_408 : memref<800xi32, #tpu.memory_space<hbm>>) dst(%dma_wait3A_406 : memref<800xi32, #tpu.memory_space<vmem>>)
    %dma_start3A_409 = arith.constant 0 : i32
    %dma_start3A_410 = arith.constant 0 : i32
    %dma_start3A_411 = tpu.memref_slice %arg11[%dma_start3A_409, %dma_start3A_410] : memref<800x64xf32, #tpu.memory_space<vmem>> -> memref<800x64xf32, #tpu.memory_space<vmem>>
    %dma_start3A_412 = arith.constant 0 : i32
    %dma_start3A_413 = tpu.memref_slice %arg9[%dma_start3A_412] : memref<800xi32, #tpu.memory_space<vmem>> -> memref<800xi32, #tpu.memory_space<vmem>>
    %dma_start3A_414 = arith.constant 0 : i32
    %dma_start3A_415 = arith.constant 0 : i32
    %dma_start3A_416 = tpu.memref_slice %arg5[%dma_start3A_414, %dma_start3A_415] : memref<100000x64xf32, #tpu.memory_space<hbm>> -> memref<100000x64xf32, #tpu.memory_space<hbm>>
    tpu.enqueue_indirect_dma source(%dma_start3A_416 : memref<100000x64xf32, #tpu.memory_space<hbm>>) target(%dma_start3A_411 : memref<800x64xf32, #tpu.memory_space<vmem>>) offsets(%dma_start3A_413 : memref<800xi32, #tpu.memory_space<vmem>>) semaphore(%arg15 : memref<!tpu.dma_semaphore, #tpu.memory_space<semaphore_mem>>)
    %scan3A = arith.constant 0 : i32
    %scan3A_417 = arith.constant 1 : i32
    %scan3A_418 = arith.constant 2 : i32
    %scan3A_419 = arith.addi %scan3A_417, %scan3A_418 : i32
    %scan3A_420 = arith.constant 1 : i32
    scf.for %scan3A_514 = %scan3A_417 to %scan3A_419 step %scan3A_420  : i32 {
      %mul3A_515 = arith.constant 2 : i32
      %mul3A_516 = arith.muli %scan3A_514, %mul3A_515 : i32
      %add3A_517 = arith.constant 0 : i32
      %add3A_518 = arith.addi %mul3A_516, %add3A_517 : i32
      %dma_wait3A_519 = arith.constant 0 : i32
      %dma_wait3A_520 = arith.constant 0 : i32
      %dma_wait3A_521 = tpu.memref_slice %arg11[%dma_wait3A_519, %dma_wait3A_520] : memref<800x64xf32, #tpu.memory_space<vmem>> -> memref<800x64xf32, #tpu.memory_space<vmem>>
      %dma_wait3A_522 = arith.constant 0 : i32
      %dma_wait3A_523 = tpu.memref_slice %arg9[%dma_wait3A_522] : memref<800xi32, #tpu.memory_space<vmem>> -> memref<800xi32, #tpu.memory_space<vmem>>
      %dma_wait3A_524 = arith.constant 0 : i32
      %dma_wait3A_525 = arith.constant 0 : i32
      %dma_wait3A_526 = tpu.memref_slice %arg5[%dma_wait3A_524, %dma_wait3A_525] : memref<100000x64xf32, #tpu.memory_space<hbm>> -> memref<100000x64xf32, #tpu.memory_space<hbm>>
      tpu.wait_indirect_dma semaphore(%arg15 : memref<!tpu.dma_semaphore, #tpu.memory_space<semaphore_mem>>) src(%dma_wait3A_526 : memref<100000x64xf32, #tpu.memory_space<hbm>>) dst(%dma_wait3A_521 : memref<800x64xf32, #tpu.memory_space<vmem>>)
      %add3A_527 = arith.constant 2 : i32
      %add3A_528 = arith.addi %add3A_518, %add3A_527 : i32
      %mul3A_529 = arith.constant 800 : i32
      %mul3A_530 = arith.muli %add3A_528, %mul3A_529 : i32
      %add3A_531 = arith.addi %mul3A_284, %mul3A_530 : i32
      %dma_start3A_532 = arith.constant 0 : i32
      %dma_start3A_533 = tpu.memref_slice %arg9[%dma_start3A_532] : memref<800xi32, #tpu.memory_space<vmem>> -> memref<800xi32, #tpu.memory_space<vmem>>
      %dma_start3A_534 = tpu.memref_slice %arg4[%add3A_531] : memref<204800xi32, #tpu.memory_space<hbm>> -> memref<800xi32, #tpu.memory_space<hbm>>
      %dma_start3A_535 = arith.constant 0 : i32
      %dma_start3A_536 = tpu.memref_slice %arg9[%dma_start3A_535] : memref<800xi32, #tpu.memory_space<vmem>> -> memref<800xi32, #tpu.memory_space<vmem>>
      %dma_start3A_537 = tpu.memref_slice %arg4[%add3A_531] : memref<204800xi32, #tpu.memory_space<hbm>> -> memref<800xi32, #tpu.memory_space<hbm>>
      tpu.enqueue_dma source(%dma_start3A_537 : memref<800xi32, #tpu.memory_space<hbm>>) target(%dma_start3A_536 : memref<800xi32, #tpu.memory_space<vmem>>) target_semaphore(%arg13 : memref<!tpu.dma_semaphore, #tpu.memory_space<semaphore_mem>>)
      %mul3A_538 = arith.constant 800 : i32
      %mul3A_539 = arith.muli %add3A_518, %mul3A_538 : i32
      %add3A_540 = arith.addi %mul3A_284, %mul3A_539 : i32
      %dma_start3A_541 = arith.constant 0 : i32
      %dma_start3A_542 = arith.constant 0 : i32
      %dma_start3A_543 = tpu.memref_slice %arg11[%dma_start3A_541, %dma_start3A_542] : memref<800x64xf32, #tpu.memory_space<vmem>> -> memref<800x64xf32, #tpu.memory_space<vmem>>
      %dma_start3A_544 = arith.constant 0 : i32
      %dma_start3A_545 = tpu.memref_slice %arg8[%add3A_540, %dma_start3A_544] : memref<204800x64xf32, #tpu.memory_space<hbm>> -> memref<800x64xf32, #tpu.memory_space<hbm>>
      %dma_start3A_546 = arith.constant 0 : i32
      %dma_start3A_547 = tpu.memref_slice %arg8[%add3A_540, %dma_start3A_546] : memref<204800x64xf32, #tpu.memory_space<hbm>> -> memref<800x64xf32, #tpu.memory_space<hbm>>
      %dma_start3A_548 = arith.constant 0 : i32
      %dma_start3A_549 = arith.constant 0 : i32
      %dma_start3A_550 = tpu.memref_slice %arg11[%dma_start3A_548, %dma_start3A_549] : memref<800x64xf32, #tpu.memory_space<vmem>> -> memref<800x64xf32, #tpu.memory_space<vmem>>
      tpu.enqueue_dma source(%dma_start3A_550 : memref<800x64xf32, #tpu.memory_space<vmem>>) target(%dma_start3A_547 : memref<800x64xf32, #tpu.memory_space<hbm>>) target_semaphore(%arg17 : memref<!tpu.dma_semaphore, #tpu.memory_space<semaphore_mem>>)
      %dma_wait3A_551 = arith.constant 0 : i32
      %dma_wait3A_552 = arith.constant 0 : i32
      %dma_wait3A_553 = tpu.memref_slice %arg12[%dma_wait3A_551, %dma_wait3A_552] : memref<800x64xf32, #tpu.memory_space<vmem>> -> memref<800x64xf32, #tpu.memory_space<vmem>>
      %dma_wait3A_554 = arith.constant 0 : i32
      %dma_wait3A_555 = arith.constant 0 : i32
      %dma_wait3A_556 = tpu.memref_slice %arg8[%dma_wait3A_554, %dma_wait3A_555] : memref<204800x64xf32, #tpu.memory_space<hbm>> -> memref<800x64xf32, #tpu.memory_space<hbm>>
      %dma_wait3A_557 = arith.constant 0 : i32
      %dma_wait3A_558 = arith.constant 0 : i32
      %dma_wait3A_559 = tpu.memref_slice %arg8[%dma_wait3A_557, %dma_wait3A_558] : memref<204800x64xf32, #tpu.memory_space<hbm>> -> memref<800x64xf32, #tpu.memory_space<hbm>>
      %dma_wait3A_560 = arith.constant 0 : i32
      %dma_wait3A_561 = arith.constant 0 : i32
      %dma_wait3A_562 = tpu.memref_slice %arg12[%dma_wait3A_560, %dma_wait3A_561] : memref<800x64xf32, #tpu.memory_space<vmem>> -> memref<800x64xf32, #tpu.memory_space<vmem>>
      tpu.wait_dma2 semaphore(%arg18 : memref<!tpu.dma_semaphore, #tpu.memory_space<semaphore_mem>>) src(%dma_wait3A_562 : memref<800x64xf32, #tpu.memory_space<vmem>>) dst(%dma_wait3A_559 : memref<800x64xf32, #tpu.memory_space<hbm>>)
      %dma_wait3A_563 = arith.constant 0 : i32
      %dma_wait3A_564 = tpu.memref_slice %arg10[%dma_wait3A_563] : memref<800xi32, #tpu.memory_space<vmem>> -> memref<800xi32, #tpu.memory_space<vmem>>
      %dma_wait3A_565 = arith.constant 0 : i32
      %dma_wait3A_566 = tpu.memref_slice %arg4[%dma_wait3A_565] : memref<204800xi32, #tpu.memory_space<hbm>> -> memref<800xi32, #tpu.memory_space<hbm>>
      %dma_wait3A_567 = arith.constant 0 : i32
      %dma_wait3A_568 = tpu.memref_slice %arg10[%dma_wait3A_567] : memref<800xi32, #tpu.memory_space<vmem>> -> memref<800xi32, #tpu.memory_space<vmem>>
      %dma_wait3A_569 = arith.constant 0 : i32
      %dma_wait3A_570 = tpu.memref_slice %arg4[%dma_wait3A_569] : memref<204800xi32, #tpu.memory_space<hbm>> -> memref<800xi32, #tpu.memory_space<hbm>>
      tpu.wait_dma2 semaphore(%arg14 : memref<!tpu.dma_semaphore, #tpu.memory_space<semaphore_mem>>) src(%dma_wait3A_570 : memref<800xi32, #tpu.memory_space<hbm>>) dst(%dma_wait3A_568 : memref<800xi32, #tpu.memory_space<vmem>>)
      %dma_start3A_571 = arith.constant 0 : i32
      %dma_start3A_572 = arith.constant 0 : i32
      %dma_start3A_573 = tpu.memref_slice %arg12[%dma_start3A_571, %dma_start3A_572] : memref<800x64xf32, #tpu.memory_space<vmem>> -> memref<800x64xf32, #tpu.memory_space<vmem>>
      %dma_start3A_574 = arith.constant 0 : i32
      %dma_start3A_575 = tpu.memref_slice %arg10[%dma_start3A_574] : memref<800xi32, #tpu.memory_space<vmem>> -> memref<800xi32, #tpu.memory_space<vmem>>
      %dma_start3A_576 = arith.constant 0 : i32
      %dma_start3A_577 = arith.constant 0 : i32
      %dma_start3A_578 = tpu.memref_slice %arg5[%dma_start3A_576, %dma_start3A_577] : memref<100000x64xf32, #tpu.memory_space<hbm>> -> memref<100000x64xf32, #tpu.memory_space<hbm>>
      tpu.enqueue_indirect_dma source(%dma_start3A_578 : memref<100000x64xf32, #tpu.memory_space<hbm>>) target(%dma_start3A_573 : memref<800x64xf32, #tpu.memory_space<vmem>>) offsets(%dma_start3A_575 : memref<800xi32, #tpu.memory_space<vmem>>) semaphore(%arg16 : memref<!tpu.dma_semaphore, #tpu.memory_space<semaphore_mem>>)
      %mul3A_579 = arith.constant 2 : i32
      %mul3A_580 = arith.muli %scan3A_514, %mul3A_579 : i32
      %add3A_581 = arith.constant 1 : i32
      %add3A_582 = arith.addi %mul3A_580, %add3A_581 : i32
      %dma_wait3A_583 = arith.constant 0 : i32
      %dma_wait3A_584 = arith.constant 0 : i32
      %dma_wait3A_585 = tpu.memref_slice %arg12[%dma_wait3A_583, %dma_wait3A_584] : memref<800x64xf32, #tpu.memory_space<vmem>> -> memref<800x64xf32, #tpu.memory_space<vmem>>
      %dma_wait3A_586 = arith.constant 0 : i32
      %dma_wait3A_587 = tpu.memref_slice %arg10[%dma_wait3A_586] : memref<800xi32, #tpu.memory_space<vmem>> -> memref<800xi32, #tpu.memory_space<vmem>>
      %dma_wait3A_588 = arith.constant 0 : i32
      %dma_wait3A_589 = arith.constant 0 : i32
      %dma_wait3A_590 = tpu.memref_slice %arg5[%dma_wait3A_588, %dma_wait3A_589] : memref<100000x64xf32, #tpu.memory_space<hbm>> -> memref<100000x64xf32, #tpu.memory_space<hbm>>
      tpu.wait_indirect_dma semaphore(%arg16 : memref<!tpu.dma_semaphore, #tpu.memory_space<semaphore_mem>>) src(%dma_wait3A_590 : memref<100000x64xf32, #tpu.memory_space<hbm>>) dst(%dma_wait3A_585 : memref<800x64xf32, #tpu.memory_space<vmem>>)
      %add3A_591 = arith.constant 2 : i32
      %add3A_592 = arith.addi %add3A_582, %add3A_591 : i32
      %mul3A_593 = arith.constant 800 : i32
      %mul3A_594 = arith.muli %add3A_592, %mul3A_593 : i32
      %add3A_595 = arith.addi %mul3A_284, %mul3A_594 : i32
      %dma_start3A_596 = arith.constant 0 : i32
      %dma_start3A_597 = tpu.memref_slice %arg10[%dma_start3A_596] : memref<800xi32, #tpu.memory_space<vmem>> -> memref<800xi32, #tpu.memory_space<vmem>>
      %dma_start3A_598 = tpu.memref_slice %arg4[%add3A_595] : memref<204800xi32, #tpu.memory_space<hbm>> -> memref<800xi32, #tpu.memory_space<hbm>>
      %dma_start3A_599 = arith.constant 0 : i32
      %dma_start3A_600 = tpu.memref_slice %arg10[%dma_start3A_599] : memref<800xi32, #tpu.memory_space<vmem>> -> memref<800xi32, #tpu.memory_space<vmem>>
      %dma_start3A_601 = tpu.memref_slice %arg4[%add3A_595] : memref<204800xi32, #tpu.memory_space<hbm>> -> memref<800xi32, #tpu.memory_space<hbm>>
      tpu.enqueue_dma source(%dma_start3A_601 : memref<800xi32, #tpu.memory_space<hbm>>) target(%dma_start3A_600 : memref<800xi32, #tpu.memory_space<vmem>>) target_semaphore(%arg14 : memref<!tpu.dma_semaphore, #tpu.memory_space<semaphore_mem>>)
      %mul3A_602 = arith.constant 800 : i32
      %mul3A_603 = arith.muli %add3A_582, %mul3A_602 : i32
      %add3A_604 = arith.addi %mul3A_284, %mul3A_603 : i32
      %dma_start3A_605 = arith.constant 0 : i32
      %dma_start3A_606 = arith.constant 0 : i32
      %dma_start3A_607 = tpu.memref_slice %arg12[%dma_start3A_605, %dma_start3A_606] : memref<800x64xf32, #tpu.memory_space<vmem>> -> memref<800x64xf32, #tpu.memory_space<vmem>>
      %dma_start3A_608 = arith.constant 0 : i32
      %dma_start3A_609 = tpu.memref_slice %arg8[%add3A_604, %dma_start3A_608] : memref<204800x64xf32, #tpu.memory_space<hbm>> -> memref<800x64xf32, #tpu.memory_space<hbm>>
      %dma_start3A_610 = arith.constant 0 : i32
      %dma_start3A_611 = tpu.memref_slice %arg8[%add3A_604, %dma_start3A_610] : memref<204800x64xf32, #tpu.memory_space<hbm>> -> memref<800x64xf32, #tpu.memory_space<hbm>>
      %dma_start3A_612 = arith.constant 0 : i32
      %dma_start3A_613 = arith.constant 0 : i32
      %dma_start3A_614 = tpu.memref_slice %arg12[%dma_start3A_612, %dma_start3A_613] : memref<800x64xf32, #tpu.memory_space<vmem>> -> memref<800x64xf32, #tpu.memory_space<vmem>>
      tpu.enqueue_dma source(%dma_start3A_614 : memref<800x64xf32, #tpu.memory_space<vmem>>) target(%dma_start3A_611 : memref<800x64xf32, #tpu.memory_space<hbm>>) target_semaphore(%arg18 : memref<!tpu.dma_semaphore, #tpu.memory_space<semaphore_mem>>)
      %dma_wait3A_615 = arith.constant 0 : i32
      %dma_wait3A_616 = arith.constant 0 : i32
      %dma_wait3A_617 = tpu.memref_slice %arg11[%dma_wait3A_615, %dma_wait3A_616] : memref<800x64xf32, #tpu.memory_space<vmem>> -> memref<800x64xf32, #tpu.memory_space<vmem>>
      %dma_wait3A_618 = arith.constant 0 : i32
      %dma_wait3A_619 = arith.constant 0 : i32
      %dma_wait3A_620 = tpu.memref_slice %arg8[%dma_wait3A_618, %dma_wait3A_619] : memref<204800x64xf32, #tpu.memory_space<hbm>> -> memref<800x64xf32, #tpu.memory_space<hbm>>
      %dma_wait3A_621 = arith.constant 0 : i32
      %dma_wait3A_622 = arith.constant 0 : i32
      %dma_wait3A_623 = tpu.memref_slice %arg8[%dma_wait3A_621, %dma_wait3A_622] : memref<204800x64xf32, #tpu.memory_space<hbm>> -> memref<800x64xf32, #tpu.memory_space<hbm>>
      %dma_wait3A_624 = arith.constant 0 : i32
      %dma_wait3A_625 = arith.constant 0 : i32
      %dma_wait3A_626 = tpu.memref_slice %arg11[%dma_wait3A_624, %dma_wait3A_625] : memref<800x64xf32, #tpu.memory_space<vmem>> -> memref<800x64xf32, #tpu.memory_space<vmem>>
      tpu.wait_dma2 semaphore(%arg17 : memref<!tpu.dma_semaphore, #tpu.memory_space<semaphore_mem>>) src(%dma_wait3A_626 : memref<800x64xf32, #tpu.memory_space<vmem>>) dst(%dma_wait3A_623 : memref<800x64xf32, #tpu.memory_space<hbm>>)
      %dma_wait3A_627 = arith.constant 0 : i32
      %dma_wait3A_628 = tpu.memref_slice %arg9[%dma_wait3A_627] : memref<800xi32, #tpu.memory_space<vmem>> -> memref<800xi32, #tpu.memory_space<vmem>>
      %dma_wait3A_629 = arith.constant 0 : i32
      %dma_wait3A_630 = tpu.memref_slice %arg4[%dma_wait3A_629] : memref<204800xi32, #tpu.memory_space<hbm>> -> memref<800xi32, #tpu.memory_space<hbm>>
      %dma_wait3A_631 = arith.constant 0 : i32
      %dma_wait3A_632 = tpu.memref_slice %arg9[%dma_wait3A_631] : memref<800xi32, #tpu.memory_space<vmem>> -> memref<800xi32, #tpu.memory_space<vmem>>
      %dma_wait3A_633 = arith.constant 0 : i32
      %dma_wait3A_634 = tpu.memref_slice %arg4[%dma_wait3A_633] : memref<204800xi32, #tpu.memory_space<hbm>> -> memref<800xi32, #tpu.memory_space<hbm>>
      tpu.wait_dma2 semaphore(%arg13 : memref<!tpu.dma_semaphore, #tpu.memory_space<semaphore_mem>>) src(%dma_wait3A_634 : memref<800xi32, #tpu.memory_space<hbm>>) dst(%dma_wait3A_632 : memref<800xi32, #tpu.memory_space<vmem>>)
      %dma_start3A_635 = arith.constant 0 : i32
      %dma_start3A_636 = arith.constant 0 : i32
      %dma_start3A_637 = tpu.memref_slice %arg11[%dma_start3A_635, %dma_start3A_636] : memref<800x64xf32, #tpu.memory_space<vmem>> -> memref<800x64xf32, #tpu.memory_space<vmem>>
      %dma_start3A_638 = arith.constant 0 : i32
      %dma_start3A_639 = tpu.memref_slice %arg9[%dma_start3A_638] : memref<800xi32, #tpu.memory_space<vmem>> -> memref<800xi32, #tpu.memory_space<vmem>>
      %dma_start3A_640 = arith.constant 0 : i32
      %dma_start3A_641 = arith.constant 0 : i32
      %dma_start3A_642 = tpu.memref_slice %arg5[%dma_start3A_640, %dma_start3A_641] : memref<100000x64xf32, #tpu.memory_space<hbm>> -> memref<100000x64xf32, #tpu.memory_space<hbm>>
      tpu.enqueue_indirect_dma source(%dma_start3A_642 : memref<100000x64xf32, #tpu.memory_space<hbm>>) target(%dma_start3A_637 : memref<800x64xf32, #tpu.memory_space<vmem>>) offsets(%dma_start3A_639 : memref<800xi32, #tpu.memory_space<vmem>>) semaphore(%arg15 : memref<!tpu.dma_semaphore, #tpu.memory_space<semaphore_mem>>)
    }
    %scan3A_421 = arith.constant 2 : i32
    %dma_wait3A_422 = arith.constant 0 : i32
    %dma_wait3A_423 = arith.constant 0 : i32
    %dma_wait3A_424 = tpu.memref_slice %arg11[%dma_wait3A_422, %dma_wait3A_423] : memref<800x64xf32, #tpu.memory_space<vmem>> -> memref<800x64xf32, #tpu.memory_space<vmem>>
    %dma_wait3A_425 = arith.constant 0 : i32
    %dma_wait3A_426 = tpu.memref_slice %arg9[%dma_wait3A_425] : memref<800xi32, #tpu.memory_space<vmem>> -> memref<800xi32, #tpu.memory_space<vmem>>
    %dma_wait3A_427 = arith.constant 0 : i32
    %dma_wait3A_428 = arith.constant 0 : i32
    %dma_wait3A_429 = tpu.memref_slice %arg5[%dma_wait3A_427, %dma_wait3A_428] : memref<100000x64xf32, #tpu.memory_space<hbm>> -> memref<100000x64xf32, #tpu.memory_space<hbm>>
    tpu.wait_indirect_dma semaphore(%arg15 : memref<!tpu.dma_semaphore, #tpu.memory_space<semaphore_mem>>) src(%dma_wait3A_429 : memref<100000x64xf32, #tpu.memory_space<hbm>>) dst(%dma_wait3A_424 : memref<800x64xf32, #tpu.memory_space<vmem>>)
    %add3A_430 = arith.constant 4800 : i32
    %add3A_431 = arith.addi %mul3A_284, %add3A_430 : i32
    %dma_start3A_432 = arith.constant 0 : i32
    %dma_start3A_433 = arith.constant 0 : i32
    %dma_start3A_434 = tpu.memref_slice %arg11[%dma_start3A_432, %dma_start3A_433] : memref<800x64xf32, #tpu.memory_space<vmem>> -> memref<800x64xf32, #tpu.memory_space<vmem>>
    %dma_start3A_435 = arith.constant 0 : i32
    %dma_start3A_436 = tpu.memref_slice %arg8[%add3A_431, %dma_start3A_435] : memref<204800x64xf32, #tpu.memory_space<hbm>> -> memref<800x64xf32, #tpu.memory_space<hbm>>
    %dma_start3A_437 = arith.constant 0 : i32
    %dma_start3A_438 = tpu.memref_slice %arg8[%add3A_431, %dma_start3A_437] : memref<204800x64xf32, #tpu.memory_space<hbm>> -> memref<800x64xf32, #tpu.memory_space<hbm>>
    %dma_start3A_439 = arith.constant 0 : i32
    %dma_start3A_440 = arith.constant 0 : i32
    %dma_start3A_441 = tpu.memref_slice %arg11[%dma_start3A_439, %dma_start3A_440] : memref<800x64xf32, #tpu.memory_space<vmem>> -> memref<800x64xf32, #tpu.memory_space<vmem>>
    tpu.enqueue_dma source(%dma_start3A_441 : memref<800x64xf32, #tpu.memory_space<vmem>>) target(%dma_start3A_438 : memref<800x64xf32, #tpu.memory_space<hbm>>) target_semaphore(%arg17 : memref<!tpu.dma_semaphore, #tpu.memory_space<semaphore_mem>>)
    %dma_wait3A_442 = arith.constant 0 : i32
    %dma_wait3A_443 = arith.constant 0 : i32
    %dma_wait3A_444 = tpu.memref_slice %arg12[%dma_wait3A_442, %dma_wait3A_443] : memref<800x64xf32, #tpu.memory_space<vmem>> -> memref<800x64xf32, #tpu.memory_space<vmem>>
    %dma_wait3A_445 = arith.constant 0 : i32
    %dma_wait3A_446 = arith.constant 0 : i32
    %dma_wait3A_447 = tpu.memref_slice %arg8[%dma_wait3A_445, %dma_wait3A_446] : memref<204800x64xf32, #tpu.memory_space<hbm>> -> memref<800x64xf32, #tpu.memory_space<hbm>>
    %dma_wait3A_448 = arith.constant 0 : i32
    %dma_wait3A_449 = arith.constant 0 : i32
    %dma_wait3A_450 = tpu.memref_slice %arg8[%dma_wait3A_448, %dma_wait3A_449] : memref<204800x64xf32, #tpu.memory_space<hbm>> -> memref<800x64xf32, #tpu.memory_space<hbm>>
    %dma_wait3A_451 = arith.constant 0 : i32
    %dma_wait3A_452 = arith.constant 0 : i32
    %dma_wait3A_453 = tpu.memref_slice %arg12[%dma_wait3A_451, %dma_wait3A_452] : memref<800x64xf32, #tpu.memory_space<vmem>> -> memref<800x64xf32, #tpu.memory_space<vmem>>
    tpu.wait_dma2 semaphore(%arg18 : memref<!tpu.dma_semaphore, #tpu.memory_space<semaphore_mem>>) src(%dma_wait3A_453 : memref<800x64xf32, #tpu.memory_space<vmem>>) dst(%dma_wait3A_450 : memref<800x64xf32, #tpu.memory_space<hbm>>)
    %dma_wait3A_454 = arith.constant 0 : i32
    %dma_wait3A_455 = tpu.memref_slice %arg10[%dma_wait3A_454] : memref<800xi32, #tpu.memory_space<vmem>> -> memref<800xi32, #tpu.memory_space<vmem>>
    %dma_wait3A_456 = arith.constant 0 : i32
    %dma_wait3A_457 = tpu.memref_slice %arg4[%dma_wait3A_456] : memref<204800xi32, #tpu.memory_space<hbm>> -> memref<800xi32, #tpu.memory_space<hbm>>
    %dma_wait3A_458 = arith.constant 0 : i32
    %dma_wait3A_459 = tpu.memref_slice %arg10[%dma_wait3A_458] : memref<800xi32, #tpu.memory_space<vmem>> -> memref<800xi32, #tpu.memory_space<vmem>>
    %dma_wait3A_460 = arith.constant 0 : i32
    %dma_wait3A_461 = tpu.memref_slice %arg4[%dma_wait3A_460] : memref<204800xi32, #tpu.memory_space<hbm>> -> memref<800xi32, #tpu.memory_space<hbm>>
    tpu.wait_dma2 semaphore(%arg14 : memref<!tpu.dma_semaphore, #tpu.memory_space<semaphore_mem>>) src(%dma_wait3A_461 : memref<800xi32, #tpu.memory_space<hbm>>) dst(%dma_wait3A_459 : memref<800xi32, #tpu.memory_space<vmem>>)
    %dma_start3A_462 = arith.constant 0 : i32
    %dma_start3A_463 = arith.constant 0 : i32
    %dma_start3A_464 = tpu.memref_slice %arg12[%dma_start3A_462, %dma_start3A_463] : memref<800x64xf32, #tpu.memory_space<vmem>> -> memref<800x64xf32, #tpu.memory_space<vmem>>
    %dma_start3A_465 = arith.constant 0 : i32
    %dma_start3A_466 = tpu.memref_slice %arg10[%dma_start3A_465] : memref<800xi32, #tpu.memory_space<vmem>> -> memref<800xi32, #tpu.memory_space<vmem>>
    %dma_start3A_467 = arith.constant 0 : i32
    %dma_start3A_468 = arith.constant 0 : i32
    %dma_start3A_469 = tpu.memref_slice %arg5[%dma_start3A_467, %dma_start3A_468] : memref<100000x64xf32, #tpu.memory_space<hbm>> -> memref<100000x64xf32, #tpu.memory_space<hbm>>
    tpu.enqueue_indirect_dma source(%dma_start3A_469 : memref<100000x64xf32, #tpu.memory_space<hbm>>) target(%dma_start3A_464 : memref<800x64xf32, #tpu.memory_space<vmem>>) offsets(%dma_start3A_466 : memref<800xi32, #tpu.memory_space<vmem>>) semaphore(%arg16 : memref<!tpu.dma_semaphore, #tpu.memory_space<semaphore_mem>>)
    %dma_wait3A_470 = arith.constant 0 : i32
    %dma_wait3A_471 = arith.constant 0 : i32
    %dma_wait3A_472 = tpu.memref_slice %arg12[%dma_wait3A_470, %dma_wait3A_471] : memref<800x64xf32, #tpu.memory_space<vmem>> -> memref<800x64xf32, #tpu.memory_space<vmem>>
    %dma_wait3A_473 = arith.constant 0 : i32
    %dma_wait3A_474 = tpu.memref_slice %arg10[%dma_wait3A_473] : memref<800xi32, #tpu.memory_space<vmem>> -> memref<800xi32, #tpu.memory_space<vmem>>
    %dma_wait3A_475 = arith.constant 0 : i32
    %dma_wait3A_476 = arith.constant 0 : i32
    %dma_wait3A_477 = tpu.memref_slice %arg5[%dma_wait3A_475, %dma_wait3A_476] : memref<100000x64xf32, #tpu.memory_space<hbm>> -> memref<100000x64xf32, #tpu.memory_space<hbm>>
    tpu.wait_indirect_dma semaphore(%arg16 : memref<!tpu.dma_semaphore, #tpu.memory_space<semaphore_mem>>) src(%dma_wait3A_477 : memref<100000x64xf32, #tpu.memory_space<hbm>>) dst(%dma_wait3A_472 : memref<800x64xf32, #tpu.memory_space<vmem>>)
    %add3A_478 = arith.constant 5600 : i32
    %add3A_479 = arith.addi %mul3A_284, %add3A_478 : i32
    %dma_start3A_480 = arith.constant 0 : i32
    %dma_start3A_481 = arith.constant 0 : i32
    %dma_start3A_482 = tpu.memref_slice %arg12[%dma_start3A_480, %dma_start3A_481] : memref<800x64xf32, #tpu.memory_space<vmem>> -> memref<800x64xf32, #tpu.memory_space<vmem>>
    %dma_start3A_483 = arith.constant 0 : i32
    %dma_start3A_484 = tpu.memref_slice %arg8[%add3A_479, %dma_start3A_483] : memref<204800x64xf32, #tpu.memory_space<hbm>> -> memref<800x64xf32, #tpu.memory_space<hbm>>
    %dma_start3A_485 = arith.constant 0 : i32
    %dma_start3A_486 = tpu.memref_slice %arg8[%add3A_479, %dma_start3A_485] : memref<204800x64xf32, #tpu.memory_space<hbm>> -> memref<800x64xf32, #tpu.memory_space<hbm>>
    %dma_start3A_487 = arith.constant 0 : i32
    %dma_start3A_488 = arith.constant 0 : i32
    %dma_start3A_489 = tpu.memref_slice %arg12[%dma_start3A_487, %dma_start3A_488] : memref<800x64xf32, #tpu.memory_space<vmem>> -> memref<800x64xf32, #tpu.memory_space<vmem>>
    tpu.enqueue_dma source(%dma_start3A_489 : memref<800x64xf32, #tpu.memory_space<vmem>>) target(%dma_start3A_486 : memref<800x64xf32, #tpu.memory_space<hbm>>) target_semaphore(%arg18 : memref<!tpu.dma_semaphore, #tpu.memory_space<semaphore_mem>>)
    %dma_wait3A_490 = arith.constant 0 : i32
    %dma_wait3A_491 = arith.constant 0 : i32
    %dma_wait3A_492 = tpu.memref_slice %arg11[%dma_wait3A_490, %dma_wait3A_491] : memref<800x64xf32, #tpu.memory_space<vmem>> -> memref<800x64xf32, #tpu.memory_space<vmem>>
    %dma_wait3A_493 = arith.constant 0 : i32
    %dma_wait3A_494 = arith.constant 0 : i32
    %dma_wait3A_495 = tpu.memref_slice %arg8[%dma_wait3A_493, %dma_wait3A_494] : memref<204800x64xf32, #tpu.memory_space<hbm>> -> memref<800x64xf32, #tpu.memory_space<hbm>>
    %dma_wait3A_496 = arith.constant 0 : i32
    %dma_wait3A_497 = arith.constant 0 : i32
    %dma_wait3A_498 = tpu.memref_slice %arg8[%dma_wait3A_496, %dma_wait3A_497] : memref<204800x64xf32, #tpu.memory_space<hbm>> -> memref<800x64xf32, #tpu.memory_space<hbm>>
    %dma_wait3A_499 = arith.constant 0 : i32
    %dma_wait3A_500 = arith.constant 0 : i32
    %dma_wait3A_501 = tpu.memref_slice %arg11[%dma_wait3A_499, %dma_wait3A_500] : memref<800x64xf32, #tpu.memory_space<vmem>> -> memref<800x64xf32, #tpu.memory_space<vmem>>
    tpu.wait_dma2 semaphore(%arg17 : memref<!tpu.dma_semaphore, #tpu.memory_space<semaphore_mem>>) src(%dma_wait3A_501 : memref<800x64xf32, #tpu.memory_space<vmem>>) dst(%dma_wait3A_498 : memref<800x64xf32, #tpu.memory_space<hbm>>)
    %dma_wait3A_502 = arith.constant 0 : i32
    %dma_wait3A_503 = arith.constant 0 : i32
    %dma_wait3A_504 = tpu.memref_slice %arg12[%dma_wait3A_502, %dma_wait3A_503] : memref<800x64xf32, #tpu.memory_space<vmem>> -> memref<800x64xf32, #tpu.memory_space<vmem>>
    %dma_wait3A_505 = arith.constant 0 : i32
    %dma_wait3A_506 = arith.constant 0 : i32
    %dma_wait3A_507 = tpu.memref_slice %arg8[%dma_wait3A_505, %dma_wait3A_506] : memref<204800x64xf32, #tpu.memory_space<hbm>> -> memref<800x64xf32, #tpu.memory_space<hbm>>
    %dma_wait3A_508 = arith.constant 0 : i32
    %dma_wait3A_509 = arith.constant 0 : i32
    %dma_wait3A_510 = tpu.memref_slice %arg8[%dma_wait3A_508, %dma_wait3A_509] : memref<204800x64xf32, #tpu.memory_space<hbm>> -> memref<800x64xf32, #tpu.memory_space<hbm>>
    %dma_wait3A_511 = arith.constant 0 : i32
    %dma_wait3A_512 = arith.constant 0 : i32
    %dma_wait3A_513 = tpu.memref_slice %arg12[%dma_wait3A_511, %dma_wait3A_512] : memref<800x64xf32, #tpu.memory_space<vmem>> -> memref<800x64xf32, #tpu.memory_space<vmem>>
    tpu.wait_dma2 semaphore(%arg18 : memref<!tpu.dma_semaphore, #tpu.memory_space<semaphore_mem>>) src(%dma_wait3A_513 : memref<800x64xf32, #tpu.memory_space<vmem>>) dst(%dma_wait3A_510 : memref<800x64xf32, #tpu.memory_space<hbm>>)
    return
  }
}

</mosaic_0001>

<sc_bundles>
// kernel: kernel.5.cloned.1.call-start
scs
__scs_entry_jumppad:
0x0: {  	(pc) =	sbr.rel $0x88, $3  }
0x1: {  	(tag) =	ssettag $0x0;
	lr =	simm.s32 $0x1  }
0x2: {  	[smem:$0x3F9E] =	sst lr;
	_ =	strace $0xD0000000  }
0x3: {  	_ = 	snop  }
0x4: {  	_ = 	snop  }
0x5: {  	_ = 	snop  }
0x6: {  	_ = 	snop  }
0x7: {  	_ = 	snop  }
__scs_overlays_trampoline_lowered:
0x8: {  	[smem:$0x3FAD] =	sst s0  }
0x9: {  	[smem:$0x3FAE] =	sst s1  }
0xa: {  	[smem:$0x3FAF] =	sst s2  }
0xb: {  	[smem:$0x3FB0] =	sst s3  }
0xc: {  	[smem:$0x3FB1] =	sst s4  }
0xd: {  	[smem:$0x3FB2] =	sst s5  }
0xe: {  	[smem:$0x3FB3] =	sst s6  }
0xf: {  	[smem:$0x3FB4] =	sst s7  }
0x10: {  	[smem:$0x3FB5] =	sst s8  }
0x11: {  	[smem:$0x3FB6] =	sst s9;
	s0 =	simm.s32 @!p0 $0x0  }
0x12: {  	s1 =	sld [smem:$0x3F9C];
	s0 =	simm.s32 @p0 $0x1  }
0x13: {  	[smem:$0x3FB7] =	sst s0;
	s0 =	simm.s32 @!p1 $0x0  }
0x14: {  	s2 =	sld [smem:$0x3F9B];
	s0 =	simm.s32 @p1 $0x1  }
0x15: {  	[smem:$0x3FB8] =	sst s0;
	s0 =	simm.s32 @!p2 $0x0  }
0x16: {  	s3 =	sld [smem:$0x3FDB];
	s0 =	simm.s32 @p2 $0x1  }
0x17: {  	s4 =	simm.s32 $0x1BF5;
	[smem:$0x3FBA] =	sst s0  }
0x18: {  	s0 =	sld [smem:$0x3F9D];
	_ =	swait.ge [sflag:s4], $0x0  }
0x19: {  	s7 =	sld [smem:$0x3F9E]  }
0x1a: {  	s8 =	sadd.s32 $0xFFFFE003, lr  }
0x1b: {  	s9 =	sadd.s32 $0xFFFFFEF7, lr;
	s5 =	simm.s32 $0xFFFFFFFF;
	p2 =	slt.u32 s8, $0xFFFFF086  }
0x1c: {  	p1 =	slt.u32 s9, $0xF7A;
	s5 =	simm.s32 @!p2 $0x0  }
0x1d: {  	s5 =	simm.s32 @p1 $0x1;
	p0 =	seq.s32 s7, s2  }
0x1e: {  	s7 =	smul.u32 @!p0 $0xF7A, s2;
	p2 =	seq.s32 @!p0 s5, $0x0  }
0x1f: {  	s9 =	smul.u32 $0xF7A, s1;
	s8 =	simm.s32 @!p0 $0x1BF5;
	p2 =	por !p2, p0  }
0x20: {  	[sflag:s8] =	ssyncset.s32 @!p0 $0xFFFFF086;
	s6 =	sadd.s32 @!p0 s3, s7;
	s7 =	simm.s32 @!p0 $0x108  }
0x21: {  	s3 =	sadd.s32 s3, s9;
	s6 =	sadd.s32 @!p0 $0x88, s6;
	s7 =	simm.s32 @p2 $0x1082  }
0x22: {  	[simem:s7], [sflag:s8] =	dma.local @!p0 [hbm:s6], $0xF7A  }
0x23: {  	s9 =	sor.u32 $0xD0000000, s2;
	s6 =	simm.s32 $0x108;
	_ =	swait.ge @!p0 [sflag:s8], $0x0  }
0x24: {  	s3 =	sadd.s32 $0x88, s3;
	s6 =	simm.s32 @!p1 $0x1082;
	[sflag:s4] =	ssyncset.s32 $0xFFFFF086  }
0x25: {  	[simem:s6], [sflag:s4] =	dma.local [hbm:s3], $0xF7A  }
0x26: {  	[smem:$0x3F9E] =	sst s1;
	(tag) =	ssettag s2;
	_ =	strace s9  }
0x27: {  	s1 =	sld [smem:$0x3FAE]  }
0x28: {  	s2 =	sld [smem:$0x3FAF]  }
0x29: {  	s4 =	sld [smem:$0x3FB1]  }
0x2a: {  	p0 =	seq.s32 s5, $0x0;
	s5 =	sld [smem:$0x3FB2]  }
0x2b: {  	s6 =	sld [smem:$0x3FB3]  }
0x2c: {  	s7 =	sld [smem:$0x3FB4]  }
0x2d: {  	s3 =	simm.s32 $0x108;
	s8 =	sld [smem:$0x3FB5]  }
0x2e: {  	s3 =	simm.s32 @!p0 $0x1082;
	s9 =	sld [smem:$0x3FB6]  }
0x2f: {  	lr =	sadd.s32 s0, s3;
	s0 =	sld [smem:$0x3FAD]  }
0x30: {  	s3 =	sld [smem:$0x3FB0]  }
0x31: {  	[smem:$0x3FB9] =	sst s10  }
0x32: {  	s10 =	sld [smem:$0x3FB7];
	_ =	sdelay $0x3  }
0x33: {  	p0 =	seq.s32 s10, $0x1;
	s10 =	sld [smem:$0x3FB9];
	_ =	sdelay $0x3  }
0x34: {  	[smem:$0x3FB9] =	sst s10  }
0x35: {  	s10 =	sld [smem:$0x3FB8];
	_ =	sdelay $0x3  }
0x36: {  	p1 =	seq.s32 s10, $0x1;
	s10 =	sld [smem:$0x3FB9];
	_ =	sdelay $0x3  }
0x37: {  	[smem:$0x3FB9] =	sst s10  }
0x38: {  	s10 =	sld [smem:$0x3FBA]  }
0x39: {  	_ = 	snop;
	(pc) =	sbr.ind lr, $3  }
0x3a: {  	_ = 	snop  }
0x3b: {  	_ = 	snop  }
0x3c: {  	p2 =	seq.s32 s10, $0x1;
	s10 =	sld [smem:$0x3FB9]  }
0x3d: {  	_ =	shalt  }
0x3e: {  	_ =	shalt  }
0x3f: {  	_ =	shalt  }
0x40: {  	_ =	shalt  }
0x41: {  	_ =	shalt  }
0x42: {  	_ =	shalt  }
0x43: {  	_ =	shalt  }
0x44: {  	_ =	shalt  }
0x45: {  	_ =	shalt  }
0x46: {  	_ =	shalt  }
0x47: {  	_ =	shalt  }
0x48: {  	_ =	shalt  }
0x49: {  	_ =	shalt  }
0x4a: {  	_ =	shalt  }
0x4b: {  	_ =	shalt  }
0x4c: {  	_ =	shalt  }
0x4d: {  	_ =	shalt  }
0x4e: {  	_ =	shalt  }
0x4f: {  	_ =	shalt  }
0x50: {  	_ =	shalt  }
0x51: {  	_ =	shalt  }
0x52: {  	_ =	shalt  }
0x53: {  	_ =	shalt  }
0x54: {  	_ =	shalt  }
0x55: {  	_ =	shalt  }
0x56: {  	_ =	shalt  }
0x57: {  	_ =	shalt  }
0x58: {  	_ =	shalt  }
0x59: {  	_ =	shalt  }
0x5a: {  	_ =	shalt  }
0x5b: {  	_ =	shalt  }
0x5c: {  	_ =	shalt  }
0x5d: {  	_ =	shalt  }
0x5e: {  	_ =	shalt  }
0x5f: {  	_ =	shalt  }
0x60: {  	_ =	shalt  }
0x61: {  	_ =	shalt  }
0x62: {  	_ =	shalt  }
0x63: {  	_ =	shalt  }
0x64: {  	_ =	shalt  }
0x65: {  	_ =	shalt  }
0x66: {  	_ =	shalt  }
0x67: {  	_ =	shalt  }
0x68: {  	_ =	shalt  }
0x69: {  	_ =	shalt  }
0x6a: {  	_ =	shalt  }
0x6b: {  	_ =	shalt  }
0x6c: {  	_ =	shalt  }
0x6d: {  	_ =	shalt  }
0x6e: {  	_ =	shalt  }
0x6f: {  	_ =	shalt  }
0x70: {  	_ =	shalt  }
0x71: {  	_ =	shalt  }
0x72: {  	_ =	shalt  }
0x73: {  	_ =	shalt  }
0x74: {  	_ =	shalt  }
0x75: {  	_ =	shalt  }
0x76: {  	_ =	shalt  }
0x77: {  	_ =	shalt  }
0x78: {  	_ =	shalt  }
0x79: {  	_ =	shalt  }
0x7a: {  	_ =	shalt  }
0x7b: {  	_ =	shalt  }
0x7c: {  	_ =	shalt  }
0x7d: {  	_ =	shalt  }
0x7e: {  	_ =	shalt  }
0x7f: {  	_ =	shalt  }
0x80: {  	_ =	shalt  }
0x81: {  	_ =	shalt  }
0x82: {  	_ =	shalt  }
0x83: {  	_ =	shalt  }
0x84: {  	_ =	shalt  }
0x85: {  	_ =	shalt  }
0x86: {  	_ =	shalt  }
0x87: {  	_ =	shalt  }
.Lfunc_end0:
.L_simem_size_0:
called_computation.1_lowered:
.L_overlay_start_0:
0x88: {  	s2 =	sld [smem:$0x3FD9]  }
0x89: {  	s3 =	sld [smem:$0x3FFE];
	_ =	sdelay $0x1  }
0x8a: {  	s1 =	srdreg.scid  }
0x8b: {  	s0 =	sand.u32 $0x1, s1  }
0x8c: {  	s14 =	sshll.u32 s0, $0xA;
	s2 =	sadd.s32 s3, s2  }
0x8d: {  	s2 =	sadd.s32 s2, s14  }
0x8e: {  	[smem:$0x3FC5] =	sst s2  }
0x8f: {  	_ = 	snop  }
0x90: {  	s2 =	sld [smem:$0x3FD0];
	_ =	sdelay $0x2  }
0x91: {  	s4 =	simm.s32 $0xA;
	s5 =	simm.s32 $0x10;
	s15 =	sld [smem:$0x3FC8]  }
0x92: {  	[smem:s5], [sflag:s4] =	dma.local [hbm:s2], $0x1  }
0x93: {  	_ =	swait.eq [sflag:s4], $0x1  }
0x94: {  	s16 =	sld [smem:$0x10];
	[sflag:s4] =	ssyncset.done $0x0  }
0x95: {  	s17 =	sld [smem:$0x11];
	[sflag:s4] =	ssyncadd.s32 $0xFFFFFFFF  }
0x96: {  	s18 =	sld [smem:$0x12];
	(tm) =	ssettm $0x1  }
0x97: {  	s6 =	sld [smem:$0x3FFB];
	_ =	sdelay $0x3  }
0x98: {  	_ =	strace s6  }
0x99: {  	s6 =	sld [smem:$0x3FFC];
	_ =	sdelay $0x3  }
0x9a: {  	_ =	strace s6  }
0x9b: {  	s6 =	sld [smem:$0x3FFD];
	_ =	sdelay $0x3  }
0x9c: {  	_ =	strace s6  }
0x9d: {  	_ =	strace $0x8FFFFFFF  }
0x9e: {  	s19 =	sld [smem:$0x3FDB];
	_ =	sdelay $0x1  }
0x9f: {  	s7 =	simm.s32 $_scs_section_size  }
0xa0: {  	s8 =	simm.s32 $_size__tile_overlayer_lowered;
	s9 =	simm.s32 $_tile_overlayer_lowered  }
0xa1: {  	s22 =	simm.s32 $0x1BFF;
	s21 =	sshll.u32 s9, $0x1;
	s6 =	sadd.s32 s7, s19  }
0xa2: {  	s10 =	simm.s32 $0x0;
	s20 =	sshll.u32 s8, $0x1;
	s8 =	sadd.s32 s21, s6  }
0xa3: {  	[timem:s10], [sflag:s22] =	dma.local [hbm:s8], s20  }
0xa4: {  	_ =	swait.ge [sflag:s22], s20  }
0xa5: {  	s7 =	ssub.s32 $0x0, s20;
	[sflag:s22] =	ssyncset.done $0x0  }
0xa6: {  	[sflag:s22] =	ssyncadd.s32 s7;
	_ =	sdelay $0x1  }
0xa7: {  	s23 =	simm.s32 $0x1B8B  }
0xa8: {  	_ =	swait.ge [sflag:s23], $0x1  }
0xa9: {  	[sflag:s23] =	ssyncset.done $0x0  }
0xaa: {  	s25 =	simm.s32 $0x1B8E;
	s24 =	sld [smem:$0x3FFE];
	[sflag:s23] =	ssyncadd.s32 $0xFFFFFFFF  }
0xab: {  	s26 =	simm.s32 $execute0_lowered;
	[smem:$0x3FD2] =	sst s25  }
0xac: {  	s8 =	sshll.u32 s26, $0x1;
	_ =	strace $0x80000046;
	[dreg:$0x1] =	wrdreg $0xFFFFFFFF  }
0xad: {  	s28 =	simm.s32 $_size_execute0_lowered;
	s6 =	sadd.s32 s6, s8;
	[dreg:$0x0] =	wrdreg $0x0  }
0xae: {  	s8 =	sshll.u32 s28, $0x1;
	[dreg:$0x2] =	wrdreg s6  }
0xaf: {  	[dreg:$0x3] =	wrdreg s8  }
0xb0: {  	[dreg:$0x4] =	wrdreg $0xC0  }
0xb1: {  	_ =	task [dreg:s10], $0x5FFFF  }
0xb2: {  	[dreg:$0x1] =	wrdreg $0xFFFFFFFF  }
0xb3: {  	[dreg:$0x0] =	wrdreg $0x60  }
0xb4: {  	[dreg:$0x2] =	wrdreg s24  }
0xb5: {  	[dreg:$0x3] =	wrdreg s15  }
0xb6: {  	[dreg:$0x4] =	wrdreg s16  }
0xb7: {  	[dreg:$0x5] =	wrdreg s17  }
0xb8: {  	[dreg:$0x6] =	wrdreg s18  }
0xb9: {  	[dreg:$0x7] =	wrdreg $0x9  }
0xba: {  	_ =	task.clear_ibuf [dreg:s10], $0x8FFFF;
	_ =	strace $0x90000046  }
0xbb: {  	s29 =	simm.s32 $0x9;
	_ =	strace $0x80000048  }
0xbc: {  	_ =	swait.ge [sflag:s29], $0x1  }
0xbd: {  	[sflag:s29] =	ssyncadd.s32 $0xFFFFFFFF  }
0xbe: {  	_ =	strace $0x90000048  }
0xbf: {  	_ =	sfence  }
0xc0: {  	s30 =	sld [smem:$0x0];
	_ =	sdelay $0x2  }
0xc1: {  	s31 =	sshll.u32 s1, $0xD;
	s1 =	sshrl.u32 s1, $0x2  }
0xc2: {  	s3 =	sand.u32 $0x4000, s31;
	s1 =	sadd.s32 s1, s30  }
0xc3: {  	s0 =	sor.u32 s3, s0;
	s1 =	sshll.u32 s1, $0x11  }
0xc4: {  	s0 =	sor.u32 s1, s0  }
0xc5: {  	s0 =	sadd.s32 $0x8F2B, s0  }
0xc6: {  	[sflag:s0] =	ssyncadd.remote.s32 $0x1  }
0xc7: {  	_ =	sfence.sel $0xFFFF  }
0xc8: {  	[dreg:$0x0] =	wrdreg $0xFFFFFFFF;
	(pc) =	sbr.abs _section_cstart, $3  }
0xc9: {  	[dreg:$0x1] =	wrdreg $0xFFFFFFFF  }
0xca: {  	_ =	task.clear_ibuf [dreg:s10], $0x2FFFF;
	_ =	strace $0x9FFFFFFF  }
0xcb: {  	(tm) =	ssettm $0x7FFFFFFF  }
tec
execute0_lowered:
.L_overlay_start_1:
0x0: {  	(tag) =	ssettag $0x1  }
0x1: {  	s3 =	rddreg [dreg:$0x0]  }
0x2: {  	s4 =	rddreg [dreg:$0x1]  }
0x3: {  	s5 =	rddreg [dreg:$0x2]  }
0x4: {  	s7 =	rddreg [dreg:$0x3]  }
0x5: {  	s2 =	srdreg.scid;
	s30 =	stileid.u32  }
0x6: {  	s1 =	rddreg [dreg:$0x4];
	s31 =	simm.s32 $0x140;
	p0 =	por $0x0, $0x0  }
0x7: {  	s8 =	sand.u32 $0x1, s2;
	s6 =	sshll.u32 s30, $0x1;
	s2 =	simm.s32 $0x0  }
0x8: {  	s11 =	sadd.s32 $0x7600, s3;
	s9 =	sor.u32 s8, s6;
	[smem:$0x7FF] =	sst s2  }
0x9: {  	s6 =	sadd.s32 $0x1200, s3;
	s3 =	sadd.s32 $0x8A00, s3;
	s8 =	ssub.s32 $0x2, s8  }
0xa: {  	s10 =	smul.u32 $0x500, s9;
	_ =	strace $0x80000047;
	s26 =	sshrl.u32 s8, $0x1  }
0xb: {  	s16 =	smul.u32 $0x2800, s9;
	s17 =	sshll.u32 s9, $0xA;
	s8 =	ssub.s32 s8, s26  }
0xc: {  	s18 =	sadd.s32 s7, s17;
	s12 =	sshrl.u32 s10, $0x3;
	s13 =	sadd.s32 $0x140, s10  }
0xd: {  	s14 =	sadd.s32 $0x280, s10;
	s10 =	sadd.s32 $0x3C0, s10;
	s21 =	sadd.s32 s5, s16  }
0xe: {  	[dreg:$0xf] =	wrdreg s18;
	s8 =	smax.u32 s8, $0x1;
	s12 =	sadd.s32 s11, s12  }
0xf: {  	s19 =	sshrl.u32 s13, $0x3;
	s15 =	sshrl.u32 s14, $0x3;
	s22 =	sshrl.u32 s10, $0x3  }
0x10: {  	[dreg:$0x9] =	wrdreg s21;
	s23 =	sshll.u32 s13, $0x3;
	s25 =	sshll.u32 s14, $0x3  }
0x11: {  	s10 =	sshll.u32 s10, $0x3;
	[dreg:$0x6] =	wrdreg s12;
	s12 =	sadd.s32 s11, s19  }
0x12: {  	s13 =	smul.u32 $0xC800, s9;
	s20 =	sadd.s32 s11, s15;
	[dreg:$0x7] =	wrdreg s12  }
0x13: {  	p1 =	sne.s32 s8, $0x1;
	s11 =	sadd.s32 s11, s22;
	[dreg:$0x8] =	wrdreg s20  }
0x14: {  	s24 =	sadd.s32 s5, s23;
	s0 =	sadd.s32 s5, s25;
	[dreg:$0xa] =	wrdreg s11  }
0x15: {  	s5 =	sadd.s32 s5, s10;
	s10 =	simm.s32 $0x4;
	[dreg:$0xb] =	wrdreg s24  }
0x16: {  	[dreg:$0xc] =	wrdreg s0;
	s11 =	sshll.u32 s9, $0x4;
	s12 =	smul.u32 $0x1900, s9  }
0x17: {  	[dreg:$0xd] =	wrdreg s5;
	s9 =	smul.u32 $0x64000, s9;
	s4 =	sadd.s32 s4, s11  }
0x18: {  	s26 =	sadd.s32 s1, s13;
	[dreg:$0xe] =	wrdreg s4;
	s19 =	sshrl.u32 s12, $0x3  }
0x19: {  	s20 =	sadd.s32 $0x320, s12;
	s22 =	sadd.s32 $0x640, s12;
	s15 =	sadd.s32 $0x960, s12  }
0x1a: {  	s9 =	sshrl.u32 s9, $0x3;
	s18 =	sadd.s32 $0xC80, s12;
	s11 =	sadd.s32 $0xFA0, s12  }
0x1b: {  	s12 =	simm.s32 $0x640;
	s28 =	sadd.s32 s6, s19;
	s21 =	sshrl.u32 s20, $0x3  }
0x1c: {  	s14 =	sshrl.u32 s22, $0x3;
	s16 =	sshrl.u32 s15, $0x3;
	s4 =	sshll.u32 s20, $0x3  }
0x1d: {  	s17 =	sadd.s32 s1, s9;
	s0 =	sshrl.u32 s18, $0x3;
	s7 =	sshll.u32 s22, $0x3  }
0x1e: {  	s13 =	sshrl.u32 s11, $0x3;
	s9 =	simm.s32 $0xCE40;
	s29 =	sadd.s32 s6, s21  }
0x1f: {  	s25 =	sadd.s32 s6, s14;
	s23 =	sadd.s32 s6, s16;
	s24 =	sadd.s32 s1, s4  }
0x20: {  	s5 =	sadd.s32 $0x9600, s17;
	s4 =	sadd.s32 $0xAF00, s17;
	s21 =	sadd.s32 s6, s0  }
0x21: {  	s22 =	sadd.s32 s1, s7;
	s19 =	sadd.s32 s6, s13;
	s14 =	sshll.u32 s15, $0x3  }
.Ltmp0:
0x22: {  	s17 =	sadd.s32 $0x258, s28;
	s15 =	sshll.u32 s18, $0x3;
	(pc) =	sbr.rel @!p1 .LBB2_5-.Ltmp0, $4  }
0x23: {  	s16 =	sshll.u32 s11, $0x3;
	s6 =	simm.s32 $0x320;
	s13 =	simm.s32 $0x3  }
0x24: {  	s0 =	sadd.s32 $0xFFFFFFFF, s8;
	s11 =	simm.s32 $0x2;
	s8 =	simm.s32 $0x5  }
0x25: {  	s7 =	simm.s32 $0x6;
	s20 =	sadd.s32 s1, s14;
	s18 =	sadd.s32 s1, s15  }
0x26: {  	s15 =	sadd.s32 $0x2BC, s28;
	s16 =	sadd.s32 s1, s16;
	s14 =	simm.s32 $0x1  }
0x27: {  	s30 =	smov.u32 s0;
	s0 =	rddreg [dreg:$0x6]  }
0x28: {  	[tilespmem:s2], [sflag:$0x1] =	stream.linear.gather [hbm4b:s0+s2], $0x140, $0x38;
	[tilespmem:$0x19640] =	vst v63  }
0x29: {  	s1 =	rddreg [dreg:$0x7]  }
0x2a: {  	[tilespmem:s6], [sflag:$0x2] =	stream.linear.gather [hbm4b:s1+s2], $0x140, $0x38;
	[tilespmem:$0x19640] =	vst v63  }
0x2b: {  	_ =	swait.ge [sflag:s14], $0x140  }
0x2c: {  	[sflag:s14] =	ssyncset.done $0x0  }
0x2d: {  	[sflag:s14] =	ssyncadd.s32 $0xFFFFFEC0  }
0x2e: {  	[tilespmem:s12], [sflag:$0x3] =	stream.indirect.gather [hbm4b:s3+s31], $0x40, s2, s31, $0xb8;
	[tilespmem:$0x19640] =	vst v63  }
0x2f: {  	_ =	swait.ge [sflag:s13], $0x5000  }
0x30: {  	[sflag:s13] =	ssyncset.done $0x0  }
0x31: {  	s0 =	rddreg [dreg:$0x8];
	[sflag:s13] =	ssyncadd.s32 $0xFFFFB000  }
0x32: {  	[tilespmem:s2], [sflag:$0x1] =	stream.linear.gather [hbm4b:s0+s2], $0x140, $0x38;
	[tilespmem:$0x19640] =	vst v63  }
0x33: {  	s1 =	rddreg [dreg:$0x9]  }
0x34: {  	[hbm4b:s1+s2] =	stream.linear.scatter [tilespmem:s12], [sflag:$0x5], $0x5000, $0x38;
	[tilespmem:$0x19640] =	vst v63  }
0x35: {  	_ =	swait.ge [sflag:s11], $0x140  }
0x36: {  	[sflag:s11] =	ssyncset.done $0x0  }
0x37: {  	[sflag:s11] =	ssyncadd.s32 $0xFFFFFEC0  }
0x38: {  	[tilespmem:s9], [sflag:$0x4] =	stream.indirect.gather [hbm4b:s3+s31], $0x40, s6, s31, $0xb8;
	[tilespmem:$0x19640] =	vst v63  }
0x39: {  	_ =	swait.ge [sflag:s10], $0x5000  }
0x3a: {  	[sflag:s10] =	ssyncset.done $0x0  }
0x3b: {  	s0 =	rddreg [dreg:$0xa];
	[sflag:s10] =	ssyncadd.s32 $0xFFFFB000  }
0x3c: {  	[tilespmem:s6], [sflag:$0x2] =	stream.linear.gather [hbm4b:s0+s2], $0x140, $0x38;
	[tilespmem:$0x19640] =	vst v63  }
0x3d: {  	s1 =	rddreg [dreg:$0xb]  }
0x3e: {  	[hbm4b:s1+s2] =	stream.linear.scatter [tilespmem:s9], [sflag:$0x6], $0x5000, $0x38;
	[tilespmem:$0x19640] =	vst v63  }
0x3f: {  	_ =	swait.ge [sflag:s8], $0x5000  }
0x40: {  	[sflag:s8] =	ssyncset.done $0x0  }
0x41: {  	[sflag:s8] =	ssyncadd.s32 $0xFFFFB000  }
0x42: {  	_ =	swait.ge [sflag:s14], $0x140  }
0x43: {  	[sflag:s14] =	ssyncset.done $0x0  }
0x44: {  	[sflag:s14] =	ssyncadd.s32 $0xFFFFFEC0  }
0x45: {  	[tilespmem:s12], [sflag:$0x3] =	stream.indirect.gather [hbm4b:s3+s31], $0x40, s2, s31, $0xb8;
	[tilespmem:$0x19640] =	vst v63  }
0x46: {  	_ =	swait.ge [sflag:s13], $0x5000  }
0x47: {  	[sflag:s13] =	ssyncset.done $0x0  }
0x48: {  	s1 =	rddreg [dreg:$0xc];
	[sflag:s13] =	ssyncadd.s32 $0xFFFFB000  }
0x49: {  	[hbm4b:s1+s2] =	stream.linear.scatter [tilespmem:s12], [sflag:$0x5], $0x5000, $0x38;
	[tilespmem:$0x19640] =	vst v63  }
0x4a: {  	_ =	swait.ge [sflag:s7], $0x5000  }
0x4b: {  	[sflag:s7] =	ssyncset.done $0x0  }
0x4c: {  	[sflag:s7] =	ssyncadd.s32 $0xFFFFB000  }
0x4d: {  	_ =	swait.ge [sflag:s11], $0x140  }
0x4e: {  	[sflag:s11] =	ssyncset.done $0x0  }
0x4f: {  	[sflag:s11] =	ssyncadd.s32 $0xFFFFFEC0  }
0x50: {  	[tilespmem:s9], [sflag:$0x4] =	stream.indirect.gather [hbm4b:s3+s31], $0x40, s6, s31, $0xb8;
	[tilespmem:$0x19640] =	vst v63  }
0x51: {  	_ =	swait.ge [sflag:s10], $0x5000  }
0x52: {  	[sflag:s10] =	ssyncset.done $0x0  }
0x53: {  	s1 =	rddreg [dreg:$0xd];
	[sflag:s10] =	ssyncadd.s32 $0xFFFFB000  }
0x54: {  	[hbm4b:s1+s2] =	stream.linear.scatter [tilespmem:s9], [sflag:$0x6], $0x5000, $0x38;
	[tilespmem:$0x19640] =	vst v63  }
0x55: {  	_ =	swait.ge [sflag:s8], $0x5000  }
0x56: {  	[sflag:s8] =	ssyncset.done $0x0  }
0x57: {  	[sflag:s8] =	ssyncadd.s32 $0xFFFFB000  }
0x58: {  	_ =	swait.ge [sflag:s7], $0x5000  }
0x59: {  	[sflag:s7] =	ssyncset.done $0x0  }
0x5a: {  	s1 =	rddreg [dreg:$0xe];
	[sflag:s7] =	ssyncadd.s32 $0xFFFFB000  }
0x5b: {  	[tilespmem:s2], [sflag:$0x1] =	stream.linear.gather [hbm4b:s1+s2], $0x80, $0x38;
	[tilespmem:$0x19640] =	vst v63  }
0x5c: {  	_ =	swait.ge [sflag:s14], $0x80  }
0x5d: {  	[sflag:s14] =	ssyncset.done $0x0  }
0x5e: {  	s1 =	simm.s32 $0x80;
	[sflag:s14] =	ssyncadd.s32 $0xFFFFFF80  }
0x5f: {  	[tilespmem:s12], [sflag:$0x3] =	stream.indirect.gather [hbm4b:s3+s1], $0x40, s2, s1, $0xb8;
	[tilespmem:$0x19640] =	vst v63  }
0x60: {  	_ =	swait.ge [sflag:s13], $0x2000  }
0x61: {  	[sflag:s13] =	ssyncset.done $0x0  }
0x62: {  	s1 =	rddreg [dreg:$0xf];
	[sflag:s13] =	ssyncadd.s32 $0xFFFFE000  }
0x63: {  	[hbm4b:s1+s2] =	stream.linear.scatter [tilespmem:s12], [sflag:$0x5], $0x2000, $0x38;
	[tilespmem:$0x19640] =	vst v63  }
0x64: {  	_ =	swait.ge [sflag:s8], $0x2000  }
0x65: {  	[sflag:s8] =	ssyncset.done $0x0  }
0x66: {  	[sflag:s8] =	ssyncadd.s32 $0xFFFFE000  }
0x67: {  	[tilespmem:s2], [sflag:$0x1] =	stream.linear.gather [hbm4b:s28+s2], $0x320, $0x38;
	[tilespmem:$0x19640] =	vst v63  }
0x68: {  	_ = 	snop  }
0x69: {  	[tilespmem:s6], [sflag:$0x2] =	stream.linear.gather [hbm4b:s29+s2], $0x320, $0x38;
	[tilespmem:$0x19640] =	vst v63  }
0x6a: {  	_ =	swait.ge [sflag:s14], $0x320  }
0x6b: {  	[sflag:s14] =	ssyncset.done $0x0  }
0x6c: {  	[sflag:s14] =	ssyncadd.s32 $0xFFFFFCE0  }
0x6d: {  	[tilespmem:s12], [sflag:$0x3] =	stream.indirect.gather [hbm4b:s3+s6], $0x40, s2, s6, $0xb8;
	[tilespmem:$0x19640] =	vst v63  }
0x6e: {  	_ =	swait.ge [sflag:s13], $0xC800  }
0x6f: {  	[sflag:s13] =	ssyncset.done $0x0  }
0x70: {  	[sflag:s13] =	ssyncadd.s32 $0xFFFF3800  }
0x71: {  	[tilespmem:s2], [sflag:$0x1] =	stream.linear.gather [hbm4b:s25+s2], $0x320, $0x38;
	[tilespmem:$0x19640] =	vst v63  }
0x72: {  	_ = 	snop  }
0x73: {  	[hbm4b:s26+s2] =	stream.linear.scatter [tilespmem:s12], [sflag:$0x5], $0xC800, $0x38;
	[tilespmem:$0x19640] =	vst v63  }
0x74: {  	_ =	swait.ge [sflag:s11], $0x320  }
0x75: {  	[sflag:s11] =	ssyncset.done $0x0  }
0x76: {  	[sflag:s11] =	ssyncadd.s32 $0xFFFFFCE0  }
0x77: {  	[tilespmem:s9], [sflag:$0x4] =	stream.indirect.gather [hbm4b:s3+s6], $0x40, s6, s6, $0xb8;
	[tilespmem:$0x19640] =	vst v63  }
0x78: {  	_ =	swait.ge [sflag:s10], $0xC800  }
0x79: {  	[sflag:s10] =	ssyncset.done $0x0  }
0x7a: {  	[sflag:s10] =	ssyncadd.s32 $0xFFFF3800  }
0x7b: {  	[tilespmem:s6], [sflag:$0x2] =	stream.linear.gather [hbm4b:s23+s2], $0x320, $0x38;
	[tilespmem:$0x19640] =	vst v63  }
0x7c: {  	_ = 	snop  }
0x7d: {  	[hbm4b:s24+s2] =	stream.linear.scatter [tilespmem:s9], [sflag:$0x6], $0xC800, $0x38;
	[tilespmem:$0x19640] =	vst v63  }
0x7e: {  	_ =	swait.ge [sflag:s8], $0xC800  }
0x7f: {  	[sflag:s8] =	ssyncset.done $0x0  }
0x80: {  	[sflag:s8] =	ssyncadd.s32 $0xFFFF3800  }
0x81: {  	_ =	swait.ge [sflag:s14], $0x320  }
0x82: {  	[sflag:s14] =	ssyncset.done $0x0  }
0x83: {  	[sflag:s14] =	ssyncadd.s32 $0xFFFFFCE0  }
0x84: {  	[tilespmem:s12], [sflag:$0x3] =	stream.indirect.gather [hbm4b:s3+s6], $0x40, s2, s6, $0xb8;
	[tilespmem:$0x19640] =	vst v63  }
0x85: {  	_ =	swait.ge [sflag:s13], $0xC800  }
0x86: {  	[sflag:s13] =	ssyncset.done $0x0  }
0x87: {  	[sflag:s13] =	ssyncadd.s32 $0xFFFF3800  }
0x88: {  	[tilespmem:s2], [sflag:$0x1] =	stream.linear.gather [hbm4b:s21+s2], $0x320, $0x38;
	[tilespmem:$0x19640] =	vst v63  }
0x89: {  	_ = 	snop  }
0x8a: {  	[hbm4b:s22+s2] =	stream.linear.scatter [tilespmem:s12], [sflag:$0x5], $0xC800, $0x38;
	[tilespmem:$0x19640] =	vst v63  }
0x8b: {  	_ =	swait.ge [sflag:s7], $0xC800  }
0x8c: {  	[sflag:s7] =	ssyncset.done $0x0  }
0x8d: {  	[sflag:s7] =	ssyncadd.s32 $0xFFFF3800  }
0x8e: {  	_ =	swait.ge [sflag:s11], $0x320  }
0x8f: {  	[sflag:s11] =	ssyncset.done $0x0  }
0x90: {  	[sflag:s11] =	ssyncadd.s32 $0xFFFFFCE0  }
0x91: {  	[tilespmem:s9], [sflag:$0x4] =	stream.indirect.gather [hbm4b:s3+s6], $0x40, s6, s6, $0xb8;
	[tilespmem:$0x19640] =	vst v63  }
0x92: {  	_ =	swait.ge [sflag:s10], $0xC800  }
0x93: {  	[sflag:s10] =	ssyncset.done $0x0  }
0x94: {  	[sflag:s10] =	ssyncadd.s32 $0xFFFF3800  }
0x95: {  	[tilespmem:s6], [sflag:$0x2] =	stream.linear.gather [hbm4b:s19+s2], $0x320, $0x38;
	[tilespmem:$0x19640] =	vst v63  }
0x96: {  	_ = 	snop  }
0x97: {  	[hbm4b:s20+s2] =	stream.linear.scatter [tilespmem:s9], [sflag:$0x6], $0xC800, $0x38;
	[tilespmem:$0x19640] =	vst v63  }
0x98: {  	_ =	swait.ge [sflag:s8], $0xC800  }
0x99: {  	[sflag:s8] =	ssyncset.done $0x0  }
0x9a: {  	[sflag:s8] =	ssyncadd.s32 $0xFFFF3800  }
0x9b: {  	_ =	swait.ge [sflag:s14], $0x320  }
0x9c: {  	[sflag:s14] =	ssyncset.done $0x0  }
0x9d: {  	[sflag:s14] =	ssyncadd.s32 $0xFFFFFCE0  }
0x9e: {  	[tilespmem:s12], [sflag:$0x3] =	stream.indirect.gather [hbm4b:s3+s6], $0x40, s2, s6, $0xb8;
	[tilespmem:$0x19640] =	vst v63  }
0x9f: {  	_ =	swait.ge [sflag:s13], $0xC800  }
0xa0: {  	[sflag:s13] =	ssyncset.done $0x0  }
0xa1: {  	[sflag:s13] =	ssyncadd.s32 $0xFFFF3800  }
0xa2: {  	[tilespmem:s2], [sflag:$0x1] =	stream.linear.gather [hbm4b:s17+s2], $0x320, $0x38;
	[tilespmem:$0x19640] =	vst v63  }
0xa3: {  	_ = 	snop  }
0xa4: {  	[hbm4b:s18+s2] =	stream.linear.scatter [tilespmem:s12], [sflag:$0x5], $0xC800, $0x38;
	[tilespmem:$0x19640] =	vst v63  }
0xa5: {  	_ =	swait.ge [sflag:s7], $0xC800  }
0xa6: {  	[sflag:s7] =	ssyncset.done $0x0  }
0xa7: {  	[sflag:s7] =	ssyncadd.s32 $0xFFFF3800  }
0xa8: {  	_ =	swait.ge [sflag:s11], $0x320  }
0xa9: {  	[sflag:s11] =	ssyncset.done $0x0  }
0xaa: {  	[sflag:s11] =	ssyncadd.s32 $0xFFFFFCE0  }
0xab: {  	[tilespmem:s9], [sflag:$0x4] =	stream.indirect.gather [hbm4b:s3+s6], $0x40, s6, s6, $0xb8;
	[tilespmem:$0x19640] =	vst v63  }
0xac: {  	_ =	swait.ge [sflag:s10], $0xC800  }
0xad: {  	[sflag:s10] =	ssyncset.done $0x0  }
0xae: {  	[sflag:s10] =	ssyncadd.s32 $0xFFFF3800  }
0xaf: {  	[tilespmem:s6], [sflag:$0x2] =	stream.linear.gather [hbm4b:s15+s2], $0x320, $0x38;
	[tilespmem:$0x19640] =	vst v63  }
0xb0: {  	_ = 	snop  }
0xb1: {  	[hbm4b:s16+s2] =	stream.linear.scatter [tilespmem:s9], [sflag:$0x6], $0xC800, $0x38;
	[tilespmem:$0x19640] =	vst v63  }
0xb2: {  	_ =	swait.ge [sflag:s8], $0xC800  }
0xb3: {  	[sflag:s8] =	ssyncset.done $0x0  }
0xb4: {  	[sflag:s8] =	ssyncadd.s32 $0xFFFF3800  }
0xb5: {  	_ =	swait.ge [sflag:s14], $0x320  }
0xb6: {  	[sflag:s14] =	ssyncset.done $0x0  }
0xb7: {  	[sflag:s14] =	ssyncadd.s32 $0xFFFFFCE0  }
0xb8: {  	[tilespmem:s12], [sflag:$0x3] =	stream.indirect.gather [hbm4b:s3+s6], $0x40, s2, s6, $0xb8;
	[tilespmem:$0x19640] =	vst v63  }
0xb9: {  	_ =	swait.ge [sflag:s13], $0xC800  }
0xba: {  	[sflag:s13] =	ssyncset.done $0x0  }
0xbb: {  	[sflag:s13] =	ssyncadd.s32 $0xFFFF3800  }
0xbc: {  	[hbm4b:s5+s2] =	stream.linear.scatter [tilespmem:s12], [sflag:$0x5], $0xC800, $0x38;
	[tilespmem:$0x19640] =	vst v63  }
0xbd: {  	_ =	swait.ge [sflag:s7], $0xC800  }
0xbe: {  	[sflag:s7] =	ssyncset.done $0x0  }
0xbf: {  	[sflag:s7] =	ssyncadd.s32 $0xFFFF3800  }
0xc0: {  	_ =	swait.ge [sflag:s11], $0x320  }
0xc1: {  	[sflag:s11] =	ssyncset.done $0x0  }
0xc2: {  	[sflag:s11] =	ssyncadd.s32 $0xFFFFFCE0  }
0xc3: {  	[tilespmem:s9], [sflag:$0x4] =	stream.indirect.gather [hbm4b:s3+s6], $0x40, s6, s6, $0xb8;
	[tilespmem:$0x19640] =	vst v63  }
0xc4: {  	_ =	swait.ge [sflag:s10], $0xC800  }
0xc5: {  	[sflag:s10] =	ssyncset.done $0x0  }
0xc6: {  	p1 =	sne.s32 s30, $0x1;
	[sflag:s10] =	ssyncadd.s32 $0xFFFF3800  }
0xc7: {  	[hbm4b:s4+s2] =	stream.linear.scatter [tilespmem:s9], [sflag:$0x6], $0xC800, $0x38;
	[tilespmem:$0x19640] =	vst v63  }
.Ltmp1:
0xc8: {  	_ =	swait.ge [sflag:s8], $0xC800;
	(pc) =	sbr.rel @!p1 .LBB2_2-.Ltmp1, $4  }
0xc9: {  	[sflag:s8] =	ssyncset.done $0x0  }
0xca: {  	[sflag:s8] =	ssyncadd.s32 $0xFFFF3800  }
0xcb: {  	_ =	swait.ge [sflag:s7], $0xC800  }
0xcc: {  	p0 =	por $0x1, $0x1;
	s1 =	sadd.s32 $0xFFFFFFFF, s30;
	[sflag:s7] =	ssyncset.done $0x0  }
.LBB2_3:
0xcd: {  	s0 =	rddreg [dreg:$0x6];
	[sflag:s7] =	ssyncadd.s32 $0xFFFF3800  }
0xce: {  	[tilespmem:s2], [sflag:$0x1] =	stream.linear.gather [hbm4b:s0+s2], $0x140, $0x38;
	[tilespmem:$0x19640] =	vst v63  }
0xcf: {  	s30 =	rddreg [dreg:$0x7]  }
0xd0: {  	[tilespmem:s6], [sflag:$0x2] =	stream.linear.gather [hbm4b:s30+s2], $0x140, $0x38;
	[tilespmem:$0x19640] =	vst v63  }
0xd1: {  	_ =	swait.ge [sflag:s14], $0x140  }
0xd2: {  	[sflag:s14] =	ssyncset.done $0x0  }
0xd3: {  	[sflag:s14] =	ssyncadd.s32 $0xFFFFFEC0  }
0xd4: {  	[tilespmem:s12], [sflag:$0x3] =	stream.indirect.gather [hbm4b:s3+s31], $0x40, s2, s31, $0xb8;
	[tilespmem:$0x19640] =	vst v63  }
0xd5: {  	_ =	swait.ge [sflag:s13], $0x5000  }
0xd6: {  	[sflag:s13] =	ssyncset.done $0x0  }
0xd7: {  	s0 =	rddreg [dreg:$0x8];
	[sflag:s13] =	ssyncadd.s32 $0xFFFFB000  }
0xd8: {  	[tilespmem:s2], [sflag:$0x1] =	stream.linear.gather [hbm4b:s0+s2], $0x140, $0x38;
	[tilespmem:$0x19640] =	vst v63  }
0xd9: {  	s30 =	rddreg [dreg:$0x9]  }
0xda: {  	[hbm4b:s30+s2] =	stream.linear.scatter [tilespmem:s12], [sflag:$0x5], $0x5000, $0x38;
	[tilespmem:$0x19640] =	vst v63  }
0xdb: {  	_ =	swait.ge [sflag:s11], $0x140  }
0xdc: {  	[sflag:s11] =	ssyncset.done $0x0  }
0xdd: {  	[sflag:s11] =	ssyncadd.s32 $0xFFFFFEC0  }
0xde: {  	[tilespmem:s9], [sflag:$0x4] =	stream.indirect.gather [hbm4b:s3+s31], $0x40, s6, s31, $0xb8;
	[tilespmem:$0x19640] =	vst v63  }
0xdf: {  	_ =	swait.ge [sflag:s10], $0x5000  }
0xe0: {  	[sflag:s10] =	ssyncset.done $0x0  }
0xe1: {  	s0 =	rddreg [dreg:$0xa];
	[sflag:s10] =	ssyncadd.s32 $0xFFFFB000  }
0xe2: {  	[tilespmem:s6], [sflag:$0x2] =	stream.linear.gather [hbm4b:s0+s2], $0x140, $0x38;
	[tilespmem:$0x19640] =	vst v63  }
0xe3: {  	s30 =	rddreg [dreg:$0xb]  }
0xe4: {  	[hbm4b:s30+s2] =	stream.linear.scatter [tilespmem:s9], [sflag:$0x6], $0x5000, $0x38;
	[tilespmem:$0x19640] =	vst v63  }
0xe5: {  	_ =	swait.ge [sflag:s8], $0x5000  }
0xe6: {  	[sflag:s8] =	ssyncset.done $0x0  }
0xe7: {  	[sflag:s8] =	ssyncadd.s32 $0xFFFFB000  }
0xe8: {  	_ =	swait.ge [sflag:s14], $0x140  }
0xe9: {  	[sflag:s14] =	ssyncset.done $0x0  }
0xea: {  	[sflag:s14] =	ssyncadd.s32 $0xFFFFFEC0  }
0xeb: {  	[tilespmem:s12], [sflag:$0x3] =	stream.indirect.gather [hbm4b:s3+s31], $0x40, s2, s31, $0xb8;
	[tilespmem:$0x19640] =	vst v63  }
0xec: {  	_ =	swait.ge [sflag:s13], $0x5000  }
0xed: {  	[sflag:s13] =	ssyncset.done $0x0  }
0xee: {  	s30 =	rddreg [dreg:$0xc];
	[sflag:s13] =	ssyncadd.s32 $0xFFFFB000  }
0xef: {  	[hbm4b:s30+s2] =	stream.linear.scatter [tilespmem:s12], [sflag:$0x5], $0x5000, $0x38;
	[tilespmem:$0x19640] =	vst v63  }
0xf0: {  	_ =	swait.ge [sflag:s7], $0x5000  }
0xf1: {  	[sflag:s7] =	ssyncset.done $0x0  }
0xf2: {  	[sflag:s7] =	ssyncadd.s32 $0xFFFFB000  }
0xf3: {  	_ =	swait.ge [sflag:s11], $0x140  }
0xf4: {  	[sflag:s11] =	ssyncset.done $0x0  }
0xf5: {  	[sflag:s11] =	ssyncadd.s32 $0xFFFFFEC0  }
0xf6: {  	[tilespmem:s9], [sflag:$0x4] =	stream.indirect.gather [hbm4b:s3+s31], $0x40, s6, s31, $0xb8;
	[tilespmem:$0x19640] =	vst v63  }
0xf7: {  	_ =	swait.ge [sflag:s10], $0x5000  }
0xf8: {  	[sflag:s10] =	ssyncset.done $0x0  }
0xf9: {  	s30 =	rddreg [dreg:$0xd];
	[sflag:s10] =	ssyncadd.s32 $0xFFFFB000  }
0xfa: {  	[hbm4b:s30+s2] =	stream.linear.scatter [tilespmem:s9], [sflag:$0x6], $0x5000, $0x38;
	[tilespmem:$0x19640] =	vst v63  }
0xfb: {  	_ =	swait.ge [sflag:s8], $0x5000  }
0xfc: {  	[sflag:s8] =	ssyncset.done $0x0  }
0xfd: {  	[sflag:s8] =	ssyncadd.s32 $0xFFFFB000  }
0xfe: {  	_ =	swait.ge [sflag:s7], $0x5000  }
0xff: {  	[sflag:s7] =	ssyncset.done $0x0  }
0x100: {  	s30 =	rddreg [dreg:$0xe];
	[sflag:s7] =	ssyncadd.s32 $0xFFFFB000  }
0x101: {  	[tilespmem:s2], [sflag:$0x1] =	stream.linear.gather [hbm4b:s30+s2], $0x80, $0x38;
	[tilespmem:$0x19640] =	vst v63  }
0x102: {  	_ =	swait.ge [sflag:s14], $0x80  }
0x103: {  	[sflag:s14] =	ssyncset.done $0x0  }
0x104: {  	s30 =	simm.s32 $0x80;
	[sflag:s14] =	ssyncadd.s32 $0xFFFFFF80  }
0x105: {  	[tilespmem:s12], [sflag:$0x3] =	stream.indirect.gather [hbm4b:s3+s30], $0x40, s2, s30, $0xb8;
	[tilespmem:$0x19640] =	vst v63  }
0x106: {  	_ =	swait.ge [sflag:s13], $0x2000  }
0x107: {  	[sflag:s13] =	ssyncset.done $0x0  }
0x108: {  	s30 =	rddreg [dreg:$0xf];
	[sflag:s13] =	ssyncadd.s32 $0xFFFFE000  }
0x109: {  	[hbm4b:s30+s2] =	stream.linear.scatter [tilespmem:s12], [sflag:$0x5], $0x2000, $0x38;
	[tilespmem:$0x19640] =	vst v63  }
0x10a: {  	_ =	swait.ge [sflag:s8], $0x2000  }
0x10b: {  	[sflag:s8] =	ssyncset.done $0x0  }
0x10c: {  	[sflag:s8] =	ssyncadd.s32 $0xFFFFE000  }
0x10d: {  	[tilespmem:s2], [sflag:$0x1] =	stream.linear.gather [hbm4b:s28+s2], $0x320, $0x38;
	[tilespmem:$0x19640] =	vst v63  }
0x10e: {  	_ = 	snop  }
0x10f: {  	[tilespmem:s6], [sflag:$0x2] =	stream.linear.gather [hbm4b:s29+s2], $0x320, $0x38;
	[tilespmem:$0x19640] =	vst v63  }
0x110: {  	_ =	swait.ge [sflag:s14], $0x320  }
0x111: {  	[sflag:s14] =	ssyncset.done $0x0  }
0x112: {  	[sflag:s14] =	ssyncadd.s32 $0xFFFFFCE0  }
0x113: {  	[tilespmem:s12], [sflag:$0x3] =	stream.indirect.gather [hbm4b:s3+s6], $0x40, s2, s6, $0xb8;
	[tilespmem:$0x19640] =	vst v63  }
0x114: {  	_ =	swait.ge [sflag:s13], $0xC800  }
0x115: {  	[sflag:s13] =	ssyncset.done $0x0  }
0x116: {  	[sflag:s13] =	ssyncadd.s32 $0xFFFF3800  }
0x117: {  	[tilespmem:s2], [sflag:$0x1] =	stream.linear.gather [hbm4b:s25+s2], $0x320, $0x38;
	[tilespmem:$0x19640] =	vst v63  }
0x118: {  	_ = 	snop  }
0x119: {  	[hbm4b:s26+s2] =	stream.linear.scatter [tilespmem:s12], [sflag:$0x5], $0xC800, $0x38;
	[tilespmem:$0x19640] =	vst v63  }
0x11a: {  	_ =	swait.ge [sflag:s11], $0x320  }
0x11b: {  	[sflag:s11] =	ssyncset.done $0x0  }
0x11c: {  	[sflag:s11] =	ssyncadd.s32 $0xFFFFFCE0  }
0x11d: {  	[tilespmem:s9], [sflag:$0x4] =	stream.indirect.gather [hbm4b:s3+s6], $0x40, s6, s6, $0xb8;
	[tilespmem:$0x19640] =	vst v63  }
0x11e: {  	_ =	swait.ge [sflag:s10], $0xC800  }
0x11f: {  	[sflag:s10] =	ssyncset.done $0x0  }
0x120: {  	[sflag:s10] =	ssyncadd.s32 $0xFFFF3800  }
0x121: {  	[tilespmem:s6], [sflag:$0x2] =	stream.linear.gather [hbm4b:s23+s2], $0x320, $0x38;
	[tilespmem:$0x19640] =	vst v63  }
0x122: {  	_ = 	snop  }
0x123: {  	[hbm4b:s24+s2] =	stream.linear.scatter [tilespmem:s9], [sflag:$0x6], $0xC800, $0x38;
	[tilespmem:$0x19640] =	vst v63  }
0x124: {  	_ =	swait.ge [sflag:s8], $0xC800  }
0x125: {  	[sflag:s8] =	ssyncset.done $0x0  }
0x126: {  	[sflag:s8] =	ssyncadd.s32 $0xFFFF3800  }
0x127: {  	_ =	swait.ge [sflag:s14], $0x320  }
0x128: {  	[sflag:s14] =	ssyncset.done $0x0  }
0x129: {  	[sflag:s14] =	ssyncadd.s32 $0xFFFFFCE0  }
0x12a: {  	[tilespmem:s12], [sflag:$0x3] =	stream.indirect.gather [hbm4b:s3+s6], $0x40, s2, s6, $0xb8;
	[tilespmem:$0x19640] =	vst v63  }
0x12b: {  	_ =	swait.ge [sflag:s13], $0xC800  }
0x12c: {  	[sflag:s13] =	ssyncset.done $0x0  }
0x12d: {  	[sflag:s13] =	ssyncadd.s32 $0xFFFF3800  }
0x12e: {  	[tilespmem:s2], [sflag:$0x1] =	stream.linear.gather [hbm4b:s21+s2], $0x320, $0x38;
	[tilespmem:$0x19640] =	vst v63  }
0x12f: {  	_ = 	snop  }
0x130: {  	[hbm4b:s22+s2] =	stream.linear.scatter [tilespmem:s12], [sflag:$0x5], $0xC800, $0x38;
	[tilespmem:$0x19640] =	vst v63  }
0x131: {  	_ =	swait.ge [sflag:s7], $0xC800  }
0x132: {  	[sflag:s7] =	ssyncset.done $0x0  }
0x133: {  	[sflag:s7] =	ssyncadd.s32 $0xFFFF3800  }
0x134: {  	_ =	swait.ge [sflag:s11], $0x320  }
0x135: {  	[sflag:s11] =	ssyncset.done $0x0  }
0x136: {  	[sflag:s11] =	ssyncadd.s32 $0xFFFFFCE0  }
0x137: {  	[tilespmem:s9], [sflag:$0x4] =	stream.indirect.gather [hbm4b:s3+s6], $0x40, s6, s6, $0xb8;
	[tilespmem:$0x19640] =	vst v63  }
0x138: {  	_ =	swait.ge [sflag:s10], $0xC800  }
0x139: {  	[sflag:s10] =	ssyncset.done $0x0  }
0x13a: {  	[sflag:s10] =	ssyncadd.s32 $0xFFFF3800  }
0x13b: {  	[tilespmem:s6], [sflag:$0x2] =	stream.linear.gather [hbm4b:s19+s2], $0x320, $0x38;
	[tilespmem:$0x19640] =	vst v63  }
0x13c: {  	_ = 	snop  }
0x13d: {  	[hbm4b:s20+s2] =	stream.linear.scatter [tilespmem:s9], [sflag:$0x6], $0xC800, $0x38;
	[tilespmem:$0x19640] =	vst v63  }
0x13e: {  	_ =	swait.ge [sflag:s8], $0xC800  }
0x13f: {  	[sflag:s8] =	ssyncset.done $0x0  }
0x140: {  	[sflag:s8] =	ssyncadd.s32 $0xFFFF3800  }
0x141: {  	_ =	swait.ge [sflag:s14], $0x320  }
0x142: {  	[sflag:s14] =	ssyncset.done $0x0  }
0x143: {  	[sflag:s14] =	ssyncadd.s32 $0xFFFFFCE0  }
0x144: {  	[tilespmem:s12], [sflag:$0x3] =	stream.indirect.gather [hbm4b:s3+s6], $0x40, s2, s6, $0xb8;
	[tilespmem:$0x19640] =	vst v63  }
0x145: {  	_ =	swait.ge [sflag:s13], $0xC800  }
0x146: {  	[sflag:s13] =	ssyncset.done $0x0  }
0x147: {  	[sflag:s13] =	ssyncadd.s32 $0xFFFF3800  }
0x148: {  	[tilespmem:s2], [sflag:$0x1] =	stream.linear.gather [hbm4b:s17+s2], $0x320, $0x38;
	[tilespmem:$0x19640] =	vst v63  }
0x149: {  	_ = 	snop  }
0x14a: {  	[hbm4b:s18+s2] =	stream.linear.scatter [tilespmem:s12], [sflag:$0x5], $0xC800, $0x38;
	[tilespmem:$0x19640] =	vst v63  }
0x14b: {  	_ =	swait.ge [sflag:s7], $0xC800  }
0x14c: {  	[sflag:s7] =	ssyncset.done $0x0  }
0x14d: {  	[sflag:s7] =	ssyncadd.s32 $0xFFFF3800  }
0x14e: {  	_ =	swait.ge [sflag:s11], $0x320  }
0x14f: {  	[sflag:s11] =	ssyncset.done $0x0  }
0x150: {  	[sflag:s11] =	ssyncadd.s32 $0xFFFFFCE0  }
0x151: {  	[tilespmem:s9], [sflag:$0x4] =	stream.indirect.gather [hbm4b:s3+s6], $0x40, s6, s6, $0xb8;
	[tilespmem:$0x19640] =	vst v63  }
0x152: {  	_ =	swait.ge [sflag:s10], $0xC800  }
0x153: {  	[sflag:s10] =	ssyncset.done $0x0  }
0x154: {  	[sflag:s10] =	ssyncadd.s32 $0xFFFF3800  }
0x155: {  	[tilespmem:s6], [sflag:$0x2] =	stream.linear.gather [hbm4b:s15+s2], $0x320, $0x38;
	[tilespmem:$0x19640] =	vst v63  }
0x156: {  	_ = 	snop  }
0x157: {  	[hbm4b:s16+s2] =	stream.linear.scatter [tilespmem:s9], [sflag:$0x6], $0xC800, $0x38;
	[tilespmem:$0x19640] =	vst v63  }
0x158: {  	_ =	swait.ge [sflag:s8], $0xC800  }
0x159: {  	[sflag:s8] =	ssyncset.done $0x0  }
0x15a: {  	[sflag:s8] =	ssyncadd.s32 $0xFFFF3800  }
0x15b: {  	_ =	swait.ge [sflag:s14], $0x320  }
0x15c: {  	[sflag:s14] =	ssyncset.done $0x0  }
0x15d: {  	[sflag:s14] =	ssyncadd.s32 $0xFFFFFCE0  }
0x15e: {  	[tilespmem:s12], [sflag:$0x3] =	stream.indirect.gather [hbm4b:s3+s6], $0x40, s2, s6, $0xb8;
	[tilespmem:$0x19640] =	vst v63  }
0x15f: {  	_ =	swait.ge [sflag:s13], $0xC800  }
0x160: {  	[sflag:s13] =	ssyncset.done $0x0  }
0x161: {  	[sflag:s13] =	ssyncadd.s32 $0xFFFF3800  }
0x162: {  	[hbm4b:s5+s2] =	stream.linear.scatter [tilespmem:s12], [sflag:$0x5], $0xC800, $0x38;
	[tilespmem:$0x19640] =	vst v63  }
0x163: {  	_ =	swait.ge [sflag:s7], $0xC800  }
0x164: {  	[sflag:s7] =	ssyncset.done $0x0  }
0x165: {  	[sflag:s7] =	ssyncadd.s32 $0xFFFF3800  }
0x166: {  	_ =	swait.ge [sflag:s11], $0x320  }
0x167: {  	[sflag:s11] =	ssyncset.done $0x0  }
0x168: {  	[sflag:s11] =	ssyncadd.s32 $0xFFFFFCE0  }
0x169: {  	[tilespmem:s9], [sflag:$0x4] =	stream.indirect.gather [hbm4b:s3+s6], $0x40, s6, s6, $0xb8;
	[tilespmem:$0x19640] =	vst v63  }
0x16a: {  	_ =	swait.ge [sflag:s10], $0xC800  }
0x16b: {  	[sflag:s10] =	ssyncset.done $0x0  }
0x16c: {  	p1 =	sne.s32 s1, $0x1;
	[sflag:s10] =	ssyncadd.s32 $0xFFFF3800  }
0x16d: {  	[hbm4b:s4+s2] =	stream.linear.scatter [tilespmem:s9], [sflag:$0x6], $0xC800, $0x38;
	[tilespmem:$0x19640] =	vst v63  }
.Ltmp2:
0x16e: {  	_ =	swait.ge [sflag:s8], $0xC800;
	(pc) =	sbr.rel @p1 .LBB2_3-.Ltmp2, $4  }
0x16f: {  	[sflag:s8] =	ssyncset.done $0x0  }
0x170: {  	[sflag:s8] =	ssyncadd.s32 $0xFFFF3800  }
0x171: {  	_ =	swait.ge [sflag:s7], $0xC800  }
0x172: {  	s1 =	sadd.s32 $0xFFFFFFFF, s1;
	[sflag:s7] =	ssyncset.done $0x0  }
0x173: {  	s30 =	stileid.u32  }
.LBB2_5:
0x174: {  	s0 =	rddreg [dreg:$0x6];
	[sflag:s7] =	ssyncadd.s32 @p0 $0xFFFF3800  }
0x175: {  	[tilespmem:s2], [sflag:$0x1] =	stream.linear.gather [hbm4b:s0+s2], $0x140, $0x38;
	[tilespmem:$0x19640] =	vst v63  }
0x176: {  	s1 =	rddreg [dreg:$0x7]  }
0x177: {  	[tilespmem:s6], [sflag:$0x2] =	stream.linear.gather [hbm4b:s1+s2], $0x140, $0x38;
	[tilespmem:$0x19640] =	vst v63  }
0x178: {  	_ =	swait.ge [sflag:s14], $0x140  }
0x179: {  	[sflag:s14] =	ssyncset.done $0x0  }
0x17a: {  	[sflag:s14] =	ssyncadd.s32 $0xFFFFFEC0  }
0x17b: {  	[tilespmem:s12], [sflag:$0x3] =	stream.indirect.gather [hbm4b:s3+s31], $0x40, s2, s31, $0xb8;
	[tilespmem:$0x19640] =	vst v63  }
0x17c: {  	_ =	swait.ge [sflag:s13], $0x5000  }
0x17d: {  	[sflag:s13] =	ssyncset.done $0x0  }
0x17e: {  	s0 =	rddreg [dreg:$0x8];
	[sflag:s13] =	ssyncadd.s32 $0xFFFFB000  }
0x17f: {  	[tilespmem:s2], [sflag:$0x1] =	stream.linear.gather [hbm4b:s0+s2], $0x140, $0x38;
	[tilespmem:$0x19640] =	vst v63  }
0x180: {  	s1 =	rddreg [dreg:$0x9]  }
0x181: {  	[hbm4b:s1+s2] =	stream.linear.scatter [tilespmem:s12], [sflag:$0x5], $0x5000, $0x38;
	[tilespmem:$0x19640] =	vst v63  }
0x182: {  	_ =	swait.ge [sflag:s11], $0x140  }
0x183: {  	[sflag:s11] =	ssyncset.done $0x0  }
0x184: {  	[sflag:s11] =	ssyncadd.s32 $0xFFFFFEC0  }
0x185: {  	[tilespmem:s9], [sflag:$0x4] =	stream.indirect.gather [hbm4b:s3+s31], $0x40, s6, s31, $0xb8;
	[tilespmem:$0x19640] =	vst v63  }
0x186: {  	_ =	swait.ge [sflag:s10], $0x5000  }
0x187: {  	[sflag:s10] =	ssyncset.done $0x0  }
0x188: {  	s0 =	rddreg [dreg:$0xa];
	[sflag:s10] =	ssyncadd.s32 $0xFFFFB000  }
0x189: {  	[tilespmem:s6], [sflag:$0x2] =	stream.linear.gather [hbm4b:s0+s2], $0x140, $0x38;
	[tilespmem:$0x19640] =	vst v63  }
0x18a: {  	s1 =	rddreg [dreg:$0xb]  }
0x18b: {  	[hbm4b:s1+s2] =	stream.linear.scatter [tilespmem:s9], [sflag:$0x6], $0x5000, $0x38;
	[tilespmem:$0x19640] =	vst v63  }
0x18c: {  	_ =	swait.ge [sflag:s8], $0x5000  }
0x18d: {  	[sflag:s8] =	ssyncset.done $0x0  }
0x18e: {  	[sflag:s8] =	ssyncadd.s32 $0xFFFFB000  }
0x18f: {  	_ =	swait.ge [sflag:s14], $0x140  }
0x190: {  	[sflag:s14] =	ssyncset.done $0x0  }
0x191: {  	[sflag:s14] =	ssyncadd.s32 $0xFFFFFEC0  }
0x192: {  	[tilespmem:s12], [sflag:$0x3] =	stream.indirect.gather [hbm4b:s3+s31], $0x40, s2, s31, $0xb8;
	[tilespmem:$0x19640] =	vst v63  }
0x193: {  	_ =	swait.ge [sflag:s13], $0x5000  }
0x194: {  	[sflag:s13] =	ssyncset.done $0x0  }
0x195: {  	s1 =	rddreg [dreg:$0xc];
	[sflag:s13] =	ssyncadd.s32 $0xFFFFB000  }
0x196: {  	[hbm4b:s1+s2] =	stream.linear.scatter [tilespmem:s12], [sflag:$0x5], $0x5000, $0x38;
	[tilespmem:$0x19640] =	vst v63  }
0x197: {  	_ =	swait.ge [sflag:s7], $0x5000  }
0x198: {  	[sflag:s7] =	ssyncset.done $0x0  }
0x199: {  	[sflag:s7] =	ssyncadd.s32 $0xFFFFB000  }
0x19a: {  	_ =	swait.ge [sflag:s11], $0x140  }
0x19b: {  	[sflag:s11] =	ssyncset.done $0x0  }
0x19c: {  	[sflag:s11] =	ssyncadd.s32 $0xFFFFFEC0  }
0x19d: {  	[tilespmem:s9], [sflag:$0x4] =	stream.indirect.gather [hbm4b:s3+s31], $0x40, s6, s31, $0xb8;
	[tilespmem:$0x19640] =	vst v63  }
0x19e: {  	_ =	swait.ge [sflag:s10], $0x5000  }
0x19f: {  	[sflag:s10] =	ssyncset.done $0x0  }
0x1a0: {  	s1 =	rddreg [dreg:$0xd];
	[sflag:s10] =	ssyncadd.s32 $0xFFFFB000  }
0x1a1: {  	[hbm4b:s1+s2] =	stream.linear.scatter [tilespmem:s9], [sflag:$0x6], $0x5000, $0x38;
	[tilespmem:$0x19640] =	vst v63  }
0x1a2: {  	_ =	swait.ge [sflag:s8], $0x5000  }
0x1a3: {  	[sflag:s8] =	ssyncset.done $0x0  }
0x1a4: {  	[sflag:s8] =	ssyncadd.s32 $0xFFFFB000  }
0x1a5: {  	_ =	swait.ge [sflag:s7], $0x5000  }
0x1a6: {  	[sflag:s7] =	ssyncset.done $0x0  }
0x1a7: {  	s31 =	rddreg [dreg:$0xe];
	[sflag:s7] =	ssyncadd.s32 $0xFFFFB000  }
0x1a8: {  	[tilespmem:s2], [sflag:$0x1] =	stream.linear.gather [hbm4b:s31+s2], $0x80, $0x38;
	[tilespmem:$0x19640] =	vst v63  }
0x1a9: {  	_ =	swait.ge [sflag:s14], $0x80  }
0x1aa: {  	[sflag:s14] =	ssyncset.done $0x0  }
0x1ab: {  	s1 =	simm.s32 $0x80;
	[sflag:s14] =	ssyncadd.s32 $0xFFFFFF80  }
0x1ac: {  	[tilespmem:s12], [sflag:$0x3] =	stream.indirect.gather [hbm4b:s3+s1], $0x40, s2, s1, $0xb8;
	[tilespmem:$0x19640] =	vst v63  }
0x1ad: {  	_ =	swait.ge [sflag:s13], $0x2000  }
0x1ae: {  	[sflag:s13] =	ssyncset.done $0x0  }
0x1af: {  	s31 =	rddreg [dreg:$0xf];
	[sflag:s13] =	ssyncadd.s32 $0xFFFFE000  }
0x1b0: {  	[hbm4b:s31+s2] =	stream.linear.scatter [tilespmem:s12], [sflag:$0x5], $0x2000, $0x38;
	[tilespmem:$0x19640] =	vst v63  }
0x1b1: {  	_ =	swait.ge [sflag:s8], $0x2000  }
0x1b2: {  	[sflag:s8] =	ssyncset.done $0x0  }
0x1b3: {  	[sflag:s8] =	ssyncadd.s32 $0xFFFFE000  }
0x1b4: {  	[tilespmem:s2], [sflag:$0x1] =	stream.linear.gather [hbm4b:s28+s2], $0x320, $0x38;
	[tilespmem:$0x19640] =	vst v63  }
0x1b5: {  	_ = 	snop  }
0x1b6: {  	[tilespmem:s6], [sflag:$0x2] =	stream.linear.gather [hbm4b:s29+s2], $0x320, $0x38;
	[tilespmem:$0x19640] =	vst v63  }
0x1b7: {  	_ =	swait.ge [sflag:s14], $0x320  }
0x1b8: {  	[sflag:s14] =	ssyncset.done $0x0  }
0x1b9: {  	[sflag:s14] =	ssyncadd.s32 $0xFFFFFCE0  }
0x1ba: {  	[tilespmem:s12], [sflag:$0x3] =	stream.indirect.gather [hbm4b:s3+s6], $0x40, s2, s6, $0xb8;
	[tilespmem:$0x19640] =	vst v63  }
0x1bb: {  	_ =	swait.ge [sflag:s13], $0xC800  }
0x1bc: {  	[sflag:s13] =	ssyncset.done $0x0  }
0x1bd: {  	[sflag:s13] =	ssyncadd.s32 $0xFFFF3800  }
0x1be: {  	[tilespmem:s2], [sflag:$0x1] =	stream.linear.gather [hbm4b:s25+s2], $0x320, $0x38;
	[tilespmem:$0x19640] =	vst v63  }
0x1bf: {  	_ = 	snop  }
0x1c0: {  	[hbm4b:s26+s2] =	stream.linear.scatter [tilespmem:s12], [sflag:$0x5], $0xC800, $0x38;
	[tilespmem:$0x19640] =	vst v63  }
0x1c1: {  	_ =	swait.ge [sflag:s11], $0x320  }
0x1c2: {  	[sflag:s11] =	ssyncset.done $0x0  }
0x1c3: {  	[sflag:s11] =	ssyncadd.s32 $0xFFFFFCE0  }
0x1c4: {  	[tilespmem:s9], [sflag:$0x4] =	stream.indirect.gather [hbm4b:s3+s6], $0x40, s6, s6, $0xb8;
	[tilespmem:$0x19640] =	vst v63  }
0x1c5: {  	_ =	swait.ge [sflag:s10], $0xC800  }
0x1c6: {  	[sflag:s10] =	ssyncset.done $0x0  }
0x1c7: {  	[sflag:s10] =	ssyncadd.s32 $0xFFFF3800  }
0x1c8: {  	[tilespmem:s6], [sflag:$0x2] =	stream.linear.gather [hbm4b:s23+s2], $0x320, $0x38;
	[tilespmem:$0x19640] =	vst v63  }
0x1c9: {  	_ = 	snop  }
0x1ca: {  	[hbm4b:s24+s2] =	stream.linear.scatter [tilespmem:s9], [sflag:$0x6], $0xC800, $0x38;
	[tilespmem:$0x19640] =	vst v63  }
0x1cb: {  	_ =	swait.ge [sflag:s8], $0xC800  }
0x1cc: {  	[sflag:s8] =	ssyncset.done $0x0  }
0x1cd: {  	[sflag:s8] =	ssyncadd.s32 $0xFFFF3800  }
0x1ce: {  	_ =	swait.ge [sflag:s14], $0x320  }
0x1cf: {  	[sflag:s14] =	ssyncset.done $0x0  }
0x1d0: {  	[sflag:s14] =	ssyncadd.s32 $0xFFFFFCE0  }
0x1d1: {  	[tilespmem:s12], [sflag:$0x3] =	stream.indirect.gather [hbm4b:s3+s6], $0x40, s2, s6, $0xb8;
	[tilespmem:$0x19640] =	vst v63  }
0x1d2: {  	_ =	swait.ge [sflag:s13], $0xC800  }
0x1d3: {  	[sflag:s13] =	ssyncset.done $0x0  }
0x1d4: {  	[sflag:s13] =	ssyncadd.s32 $0xFFFF3800  }
0x1d5: {  	[tilespmem:s2], [sflag:$0x1] =	stream.linear.gather [hbm4b:s21+s2], $0x320, $0x38;
	[tilespmem:$0x19640] =	vst v63  }
0x1d6: {  	_ = 	snop  }
0x1d7: {  	[hbm4b:s22+s2] =	stream.linear.scatter [tilespmem:s12], [sflag:$0x5], $0xC800, $0x38;
	[tilespmem:$0x19640] =	vst v63  }
0x1d8: {  	_ =	swait.ge [sflag:s7], $0xC800  }
0x1d9: {  	[sflag:s7] =	ssyncset.done $0x0  }
0x1da: {  	[sflag:s7] =	ssyncadd.s32 $0xFFFF3800  }
0x1db: {  	_ =	swait.ge [sflag:s11], $0x320  }
0x1dc: {  	[sflag:s11] =	ssyncset.done $0x0  }
0x1dd: {  	[sflag:s11] =	ssyncadd.s32 $0xFFFFFCE0  }
0x1de: {  	[tilespmem:s9], [sflag:$0x4] =	stream.indirect.gather [hbm4b:s3+s6], $0x40, s6, s6, $0xb8;
	[tilespmem:$0x19640] =	vst v63  }
0x1df: {  	_ =	swait.ge [sflag:s10], $0xC800  }
0x1e0: {  	[sflag:s10] =	ssyncset.done $0x0  }
0x1e1: {  	[sflag:s10] =	ssyncadd.s32 $0xFFFF3800  }
0x1e2: {  	[tilespmem:s6], [sflag:$0x2] =	stream.linear.gather [hbm4b:s19+s2], $0x320, $0x38;
	[tilespmem:$0x19640] =	vst v63  }
0x1e3: {  	_ = 	snop  }
0x1e4: {  	[hbm4b:s20+s2] =	stream.linear.scatter [tilespmem:s9], [sflag:$0x6], $0xC800, $0x38;
	[tilespmem:$0x19640] =	vst v63  }
0x1e5: {  	_ =	swait.ge [sflag:s8], $0xC800  }
0x1e6: {  	[sflag:s8] =	ssyncset.done $0x0  }
0x1e7: {  	[sflag:s8] =	ssyncadd.s32 $0xFFFF3800  }
0x1e8: {  	_ =	swait.ge [sflag:s14], $0x320  }
0x1e9: {  	[sflag:s14] =	ssyncset.done $0x0  }
0x1ea: {  	[sflag:s14] =	ssyncadd.s32 $0xFFFFFCE0  }
0x1eb: {  	[tilespmem:s12], [sflag:$0x3] =	stream.indirect.gather [hbm4b:s3+s6], $0x40, s2, s6, $0xb8;
	[tilespmem:$0x19640] =	vst v63  }
0x1ec: {  	_ =	swait.ge [sflag:s13], $0xC800  }
0x1ed: {  	[sflag:s13] =	ssyncset.done $0x0  }
0x1ee: {  	[sflag:s13] =	ssyncadd.s32 $0xFFFF3800  }
0x1ef: {  	[tilespmem:s2], [sflag:$0x1] =	stream.linear.gather [hbm4b:s17+s2], $0x320, $0x38;
	[tilespmem:$0x19640] =	vst v63  }
0x1f0: {  	_ = 	snop  }
0x1f1: {  	[hbm4b:s18+s2] =	stream.linear.scatter [tilespmem:s12], [sflag:$0x5], $0xC800, $0x38;
	[tilespmem:$0x19640] =	vst v63  }
0x1f2: {  	_ =	swait.ge [sflag:s7], $0xC800  }
0x1f3: {  	[sflag:s7] =	ssyncset.done $0x0  }
0x1f4: {  	[sflag:s7] =	ssyncadd.s32 $0xFFFF3800  }
0x1f5: {  	_ =	swait.ge [sflag:s11], $0x320  }
0x1f6: {  	[sflag:s11] =	ssyncset.done $0x0  }
0x1f7: {  	[sflag:s11] =	ssyncadd.s32 $0xFFFFFCE0  }
0x1f8: {  	[tilespmem:s9], [sflag:$0x4] =	stream.indirect.gather [hbm4b:s3+s6], $0x40, s6, s6, $0xb8;
	[tilespmem:$0x19640] =	vst v63  }
0x1f9: {  	_ =	swait.ge [sflag:s10], $0xC800  }
0x1fa: {  	[sflag:s10] =	ssyncset.done $0x0  }
0x1fb: {  	[sflag:s10] =	ssyncadd.s32 $0xFFFF3800  }
0x1fc: {  	[tilespmem:s6], [sflag:$0x2] =	stream.linear.gather [hbm4b:s15+s2], $0x320, $0x38;
	[tilespmem:$0x19640] =	vst v63  }
0x1fd: {  	_ = 	snop  }
0x1fe: {  	[hbm4b:s16+s2] =	stream.linear.scatter [tilespmem:s9], [sflag:$0x6], $0xC800, $0x38;
	[tilespmem:$0x19640] =	vst v63  }
0x1ff: {  	_ =	swait.ge [sflag:s8], $0xC800  }
0x200: {  	[sflag:s8] =	ssyncset.done $0x0  }
0x201: {  	[sflag:s8] =	ssyncadd.s32 $0xFFFF3800  }
0x202: {  	_ =	swait.ge [sflag:s14], $0x320  }
0x203: {  	[sflag:s14] =	ssyncset.done $0x0  }
0x204: {  	[sflag:s14] =	ssyncadd.s32 $0xFFFFFCE0  }
0x205: {  	[tilespmem:s12], [sflag:$0x3] =	stream.indirect.gather [hbm4b:s3+s6], $0x40, s2, s6, $0xb8;
	[tilespmem:$0x19640] =	vst v63  }
0x206: {  	_ =	swait.ge [sflag:s13], $0xC800  }
0x207: {  	[sflag:s13] =	ssyncset.done $0x0  }
0x208: {  	[sflag:s13] =	ssyncadd.s32 $0xFFFF3800  }
0x209: {  	[hbm4b:s5+s2] =	stream.linear.scatter [tilespmem:s12], [sflag:$0x5], $0xC800, $0x38;
	[tilespmem:$0x19640] =	vst v63  }
0x20a: {  	_ =	swait.ge [sflag:s7], $0xC800  }
0x20b: {  	[sflag:s7] =	ssyncset.done $0x0  }
0x20c: {  	[sflag:s7] =	ssyncadd.s32 $0xFFFF3800  }
0x20d: {  	_ =	swait.ge [sflag:s11], $0x320  }
0x20e: {  	[sflag:s11] =	ssyncset.done $0x0  }
0x20f: {  	[sflag:s11] =	ssyncadd.s32 $0xFFFFFCE0  }
0x210: {  	[tilespmem:s9], [sflag:$0x4] =	stream.indirect.gather [hbm4b:s3+s6], $0x40, s6, s6, $0xb8;
	[tilespmem:$0x19640] =	vst v63  }
0x211: {  	_ =	swait.ge [sflag:s10], $0xC800  }
0x212: {  	[sflag:s10] =	ssyncset.done $0x0  }
0x213: {  	[sflag:s10] =	ssyncadd.s32 $0xFFFF3800  }
0x214: {  	[hbm4b:s4+s2] =	stream.linear.scatter [tilespmem:s9], [sflag:$0x6], $0xC800, $0x38;
	[tilespmem:$0x19640] =	vst v63  }
0x215: {  	_ =	swait.ge [sflag:s8], $0xC800  }
0x216: {  	[sflag:s8] =	ssyncset.done $0x0  }
0x217: {  	[sflag:s8] =	ssyncadd.s32 $0xFFFF3800  }
0x218: {  	_ =	swait.ge [sflag:s7], $0xC800  }
0x219: {  	[sflag:s7] =	ssyncset.done $0x0  }
0x21a: {  	[sflag:s7] =	ssyncadd.s32 $0xFFFF3800  }
0x21b: {  	_ =	sfence.sel $0x180000  }
0x21c: {  	[bflag:$0x0] =	sbarrier.arrive $0xFFFF  }
0x21d: {  	_ =	strace $0x90000047  }
0x21e: {  	[bflag:$0x2] =	sbarrier.arrive $0xFFFF  }
0x21f: {  	p0 =	sne.s32 s30, $0x0;
	s0 =	rddreg [dreg:$0x5]  }
0x220: {  	s0 =	sadd.s32 @!p0 $0x100000, s0  }
0x221: {  	[sflag:s0] =	ssyncadd.tile.s32 @!p0 $0x1;
	_ =	shalt  }
.LBB2_2:
.Ltmp3:
0x222: {  	(pc) =	sbr.rel .LBB2_5-.Ltmp3, $2  }
0x223: {  	_ =	sdelay $0x2  }
0x224: {  	s30 =	stileid.u32  }
.Lfunc_end2:
_tile_overlayer_lowered:
.L_overlay_start_2:
0x225: {  	(tag) =	ssettag $0x2  }
0x226: {  	s0 =	rddreg [dreg:$0x0];
	s2 =	stileid.u32  }
0x227: {  	s1 =	rddreg [dreg:$0x1];
	p0 =	sne.s32 s2, $0x0  }
0x228: {  	s3 =	rddreg [dreg:$0x2];
	[bflag:$0x3] =	sbarrier.arrive $0xFFFF;
	s2 =	simm.s32 @!p0 $0x1C07  }
0x229: {  	[timem:s3], [sflag:s2] =	dma.local @!p0 [hbm:s0], s1  }
0x22a: {  	s0 =	simm.s32 @!p0 $0x7  }
0x22b: {  	_ =	swait.ge @!p0 [sflag:s0], s1  }
0x22c: {  	s1 =	ssub.s32 @!p0 $0x0, s1;
	[sflag:s0] =	ssyncset.done @!p0 $0x0  }
0x22d: {  	[sflag:s0] =	ssyncadd.s32 @!p0 s1  }
0x22e: {  	[bflag:$0x3] =	sbarrier.arrive $0xFFFF  }
0x22f: {  	_ =	shalt  }

// kernel: sparse-core-data-format-call.cloned.1.call-start
scs
called_computation_lowered:
.L_overlay_start_0:
0x0: {  	s2 =	sld [smem:$0x3FD9]  }
0x1: {  	s3 =	sld [smem:$0x3FFE];
	_ =	sdelay $0x1  }
0x2: {  	s1 =	srdreg.scid  }
0x3: {  	s0 =	sand.u32 $0x1, s1  }
0x4: {  	s15 =	sshll.u32 s0, $0xA;
	s2 =	sadd.s32 s3, s2  }
0x5: {  	s2 =	sadd.s32 s2, s15  }
0x6: {  	[smem:$0x3FC5] =	sst s2  }
0x7: {  	_ = 	snop  }
0x8: {  	s2 =	sld [smem:$0x3FD0];
	_ =	sdelay $0x2  }
0x9: {  	s16 =	simm.s32 $0xA;
	s4 =	simm.s32 $0x10  }
0xa: {  	[smem:s4], [sflag:s16] =	dma.local [hbm:s2], $0x1  }
0xb: {  	_ =	swait.eq [sflag:s16], $0x1  }
0xc: {  	[sflag:s16] =	ssyncset.done $0x0  }
0xd: {  	[sflag:s16] =	ssyncadd.s32 $0xFFFFFFFF  }
0xe: {  	s17 =	sld [smem:$0x12];
	(tm) =	ssettm $0x1  }
0xf: {  	s18 =	sld [smem:$0x3FFB];
	_ =	sdelay $0x3  }
0x10: {  	_ =	strace s18  }
0x11: {  	s3 =	sld [smem:$0x3FFC];
	_ =	sdelay $0x3  }
0x12: {  	_ =	strace s3  }
0x13: {  	s3 =	sld [smem:$0x3FFD];
	_ =	sdelay $0x3  }
0x14: {  	_ =	strace s3  }
0x15: {  	_ =	strace $0x8FFFFFFF  }
0x16: {  	s19 =	sld [smem:$0x3FDB];
	_ =	sdelay $0x1  }
0x17: {  	s20 =	simm.s32 $_scs_section_size  }
0x18: {  	s5 =	simm.s32 $_size__tile_overlayer_lowered;
	s6 =	simm.s32 $_tile_overlayer_lowered  }
0x19: {  	s23 =	simm.s32 $0x1BFF;
	s22 =	sshll.u32 s6, $0x1;
	s3 =	sadd.s32 s20, s19  }
0x1a: {  	s7 =	simm.s32 $0x0;
	s21 =	sshll.u32 s5, $0x1;
	s5 =	sadd.s32 s22, s3  }
0x1b: {  	[timem:s7], [sflag:s23] =	dma.local [hbm:s5], s21  }
0x1c: {  	_ =	swait.ge [sflag:s23], s21  }
0x1d: {  	s4 =	ssub.s32 $0x0, s21;
	[sflag:s23] =	ssyncset.done $0x0  }
0x1e: {  	[sflag:s23] =	ssyncadd.s32 s4;
	_ =	sdelay $0x1  }
0x1f: {  	s24 =	simm.s32 $0x1B8B  }
0x20: {  	_ =	swait.ge [sflag:s24], $0x1  }
0x21: {  	[sflag:s24] =	ssyncset.done $0x0  }
0x22: {  	s26 =	simm.s32 $0x1B8E;
	s25 =	sld [smem:$0x3FFE];
	[sflag:s24] =	ssyncadd.s32 $0xFFFFFFFF  }
0x23: {  	s27 =	simm.s32 $execute0_lowered;
	[smem:$0x3FD2] =	sst s26  }
0x24: {  	s5 =	sshll.u32 s27, $0x1;
	_ =	strace $0x80000049;
	[dreg:$0x1] =	wrdreg $0xFFFFFFFF  }
0x25: {  	s28 =	simm.s32 $_size_execute0_lowered;
	s3 =	sadd.s32 s3, s5;
	[dreg:$0x0] =	wrdreg $0x0  }
0x26: {  	s5 =	sshll.u32 s28, $0x1;
	[dreg:$0x2] =	wrdreg s3  }
0x27: {  	[dreg:$0x3] =	wrdreg s5  }
0x28: {  	[dreg:$0x4] =	wrdreg $0xC0  }
0x29: {  	_ =	task [dreg:s7], $0x5FFFF  }
0x2a: {  	[dreg:$0x1] =	wrdreg $0xFFFFFFFF  }
0x2b: {  	[dreg:$0x0] =	wrdreg $0x60  }
0x2c: {  	[dreg:$0x2] =	wrdreg s25  }
0x2d: {  	[dreg:$0x3] =	wrdreg s17  }
0x2e: {  	[dreg:$0x4] =	wrdreg $0x9  }
0x2f: {  	_ =	task.clear_ibuf [dreg:s7], $0x5FFFF;
	_ =	strace $0x90000049  }
0x30: {  	s29 =	simm.s32 $0x9;
	_ =	strace $0x8000004B  }
0x31: {  	_ =	swait.ge [sflag:s29], $0x1  }
0x32: {  	[sflag:s29] =	ssyncadd.s32 $0xFFFFFFFF  }
0x33: {  	_ =	strace $0x9000004B  }
0x34: {  	_ =	sfence  }
0x35: {  	s30 =	sld [smem:$0x0];
	_ =	sdelay $0x2  }
0x36: {  	s31 =	sshll.u32 s1, $0xD;
	s1 =	sshrl.u32 s1, $0x2  }
0x37: {  	s3 =	sand.u32 $0x4000, s31;
	s1 =	sadd.s32 s1, s30  }
0x38: {  	s0 =	sor.u32 s3, s0;
	s1 =	sshll.u32 s1, $0x11  }
0x39: {  	s0 =	sor.u32 s1, s0  }
0x3a: {  	s0 =	sadd.s32 $0x8F2B, s0  }
0x3b: {  	[sflag:s0] =	ssyncadd.remote.s32 $0x1  }
0x3c: {  	_ =	sfence.sel $0xFFFF  }
0x3d: {  	[dreg:$0x0] =	wrdreg $0xFFFFFFFF;
	(pc) =	sbr.abs _section_cstart, $3  }
0x3e: {  	[dreg:$0x1] =	wrdreg $0xFFFFFFFF  }
0x3f: {  	_ =	task.clear_ibuf [dreg:s7], $0x2FFFF;
	_ =	strace $0x9FFFFFFF  }
0x40: {  	(tm) =	ssettm $0x7FFFFFFF  }
0x41: {  	_ =	shalt  }
tec
execute0_lowered:
.L_overlay_start_1:
0x0: {  	(tag) =	ssettag $0x1  }
0x1: {  	s0 =	srdreg.scid  }
0x2: {  	s1 =	sshll.u32 s0, $0x4  }
0x3: {  	s0 =	stileid.u32;
	s1 =	sand.u32 $0x10, s1  }
0x4: {  	s1 =	sor.u32 s0, s1  }
0x5: {  	s6 =	rddreg [dreg:$0x0];
	s4 =	simm.s32 $0x1;
	s2 =	sshll.u32 s1, $0x7  }
0x6: {  	s7 =	simm.s32 $0x2;
	s12 =	simm.s32 $0x0;
	s1 =	ssub.s32 $0x1000, s2  }
0x7: {  	s8 =	simm.s32 $0x8000;
	s13 =	simm.s32 $0x0;
	s3 =	sand.u32 $0xF80, s1  }
0x8: {  	s9 =	simm.s32 $0x0;
	s5 =	sshrl.u32 s1, $0xC;
	p0 =	sne.s32 s3, $0x0  }
.Ltmp0:
0x9: {  	s1 =	rddreg [dreg:$0x2];
	s4 =	simm.s32 @!p0 $0x0;
	(pc) =	sbr.rel .LBB1_1-.Ltmp0, $4  }
0xa: {  	s11 =	simm.s32 $0x0;
	s3 =	rddreg [dreg:$0x1];
	s5 =	sadd.s32 s4, s5  }
0xb: {  	_ =	strace $0x8000004A;
	s4 =	simm.s32 $0x1;
	s5 =	smul.u32 $0x32, s5  }
0xc: {  	s6 =	sadd.s32 $0x1200, s6;
	s10 =	smov.u32 s2;
	[sflag:s4] =	ssyncpa.u1 $0x0  }
0xd: {  	p0 =	por $0x0, $0x0;
	[sflag:s7] =	ssyncpa.u1 $0x0;
	s7 =	sor.u32 $0x1, s5  }
.LBB1_4:
0xe: {  	s16 =	sshll.u32 s13, $0x3;
	s17 =	sand.u32 $0x78, s13  }
0xf: {  	s30 =	sand.u32 $0x7E00, s13;
	s12 =	sshll.u32 s12, $0xF;
	s16 =	sand.u32 $0xC00, s16  }
0x10: {  	[tilespmem:s15+$0x810 ss:$0x81] =	vst.msk $0xffff, v2;
	s31 =	sand.u32 $0x7, s13;
	s16 =	sor.u32 s17, s16;
	s17 =	sadd.s32 s3, s30  }
0x11: {  	[tilespmem:s15+$0x1020 ss:$0x81] =	vst.msk $0xffff, v0;
	s13 =	sshll.u32 s31, $0x12;
	s12 =	sadd.s32 s12, s17;
	s16 =	sshrl.u32 s16, $0x3  }
0x12: {  	[tilespmem:s15+$0x0 ss:$0x81] =	vst.msk $0xffff, v1;
	s13 =	sor.u32 $0x400, s13;
	s12 =	sadd.s32 s16, s12  }
0x13: {  	[hbm4b:s12+s13] =	stream.strided.scatter [tilespmem:s14], [sflag:$0x2], $0x2000, s8, s13, $0x20;
	[tilespmem:$0x8080] =	vst v63  }
.LBB1_5:
0x14: {  	s14 =	sadd.s32 $0x1, s9  }
0x15: {  	s12 =	sadd.s32 $0x1000, s10;
	s16 =	smov.u32 s10;
	p2 =	sgt.s32 s14, $0x31  }
0x16: {  	s16 =	smov.u32 @p2 s12  }
0x17: {  	s14 =	simm.s32 @p2 $0x0;
	p2 =	sgt.s32 s16, $0xFFF  }
0x18: {  	s16 =	smov.u32 @p2 s2;
	p2 =	sne.s32 s11, s7  }
.Ltmp1:
0x19: {  	p1 =	slt.u32 s11, $0x2;
	(pc) =	sbr.rel @!p2 .LBB1_6-.Ltmp1, $4  }
0x1a: {  	s15 =	simm.s32 @!p1 $0x2  }
0x1b: {  	s13 =	smov.u32 s10;
	p0 =	por !p0, !p0;
	_ =	swait.ge @!p1 [sflag:s15], $0x2000  }
0x1c: {  	s12 =	smov.u32 s9;
	[sflag:s15] =	ssyncset.done @!p1 $0x0;
	s9 =	smov.u32 s14  }
0x1d: {  	s11 =	sadd.s32 $0x1, s11;
	[sflag:s15] =	ssyncadd.s32 @!p1 $0xFFFFE000;
	s10 =	smov.u32 s16  }
.LBB1_1:
0x1e: {  	p1 =	sge.u32 s11, s5  }
0x1f: {  	s14 =	sand.u32 @!p1 $0x1FFFFFF, s9  }
0x20: {  	s15 =	smulhi.u32 @!p1 $0x4924925, s14;
	_ =	sdelay $0x1  }
0x21: {  	s15 =	smul.u32 @!p1 $0x38, s15  }
0x22: {  	s16 =	sxor.u32 @!p1 $0xFFFFFFFF, s11;
	s17 =	smul.u32 @!p1 $0x380, s10  }
0x23: {  	s31 =	sadd.s32 $0xFFFFFFFF, s11;
	s16 =	sshll.u32 @!p1 s16, $0xD;
	s14 =	ssub.s32 @!p1 s14, s15  }
0x24: {  	s15 =	sand.u32 @!p1 $0x2000, s16;
	s16 =	sadd.s32 @!p1 s6, s17;
	s14 =	sshll.u32 @!p1 s14, $0x4  }
0x25: {  	s17 =	simm.s32 @!p1 $0x1C00;
	s14 =	sadd.s32 @!p1 s14, s16;
	s16 =	simm.s32 @!p1 $0x40  }
0x26: {  	[tilespmem:s15], [sflag:$0x1] =	stream.strided.gather @!p1 [hbm4b:s14+s16], $0x2000, s17, s16, $0x38;
	[tilespmem:$0x8080] =	vst v63  }
0x27: {  	p1 =	sge.u32 s31, s5  }
.Ltmp2:
0x28: {  	_ = 	snop;
	(pc) =	sbr.rel @p1 .LBB1_5-.Ltmp2, $1  }
0x29: {  	_ =	sdelay $0x3  }
0x2a: {  	s14 =	simm.s32 $0x1  }
0x2b: {  	_ =	swait.ge [sflag:s4], $0x2000;
	s14 =	simm.s32 @!p0 $0x0  }
0x2c: {  	[sflag:s4] =	ssyncset.done $0x0;
	s15 =	sshll.u32 s14, $0xD  }
0x2d: {  	[sflag:s4] =	ssyncadd.s32 $0xFFFFE000;
	s18 =	sor.u32 $0x20, s15  }
0x2e: {  	s14 =	smul.u32 $0x8100, s14;
	v3 =	vld [tilespmem:s18+$0x10]  }
0x2f: {  	s30 =	sand.u32 $0x1, s11;
	v2 =	vld [tilespmem:s18+$0xFFFFFFF0]  }
0x30: {  	s15 =	smul.u32 $0x8100, s30;
	s14 =	sshrl.u32 s14, $0x2;
	v0 =	vld [tilespmem:s18+$0x0]  }
0x31: {  	v1 =	vld [tilespmem:s18+$0xFFFFFFE0];
	s16 =	sor.u32 $0x4000, s14  }
0x32: {  	s31 =	sshrl.u32 s15, $0x2;
	s15 =	sadd.s32 $0x0, s16  }
0x33: {  	s17 =	simm.s32 $0x4;
	s18 =	sadd.s32 $0x40, s18;
	s14 =	sor.u32 $0x4000, s31;
	[tilespmem:s15+$0x1830 ss:$0x81] =	vst.msk $0xffff, v3  }
.LBB1_3:
0x34: {  	v3 =	vld [tilespmem:s18+$0x10];
	p1 =	sne.s32 s17, $0x1FC;
	[tilespmem:s15+$0x810 ss:$0x81] =	vst.msk $0xffff, v2;
	s19 =	smov.u32 s17;
	s17 =	sadd.s32 $0x4, s17  }
.Ltmp3:
0x35: {  	v2 =	vld [tilespmem:s18+$0xFFFFFFF0];
	[tilespmem:s15+$0x1020 ss:$0x81] =	vst.msk $0xffff, v0;
	(pc) =	sbr.rel @p1 .LBB1_3-.Ltmp3, $4  }
0x36: {  	v0 =	vld [tilespmem:s18+$0x0];
	[tilespmem:s15+$0x0 ss:$0x81] =	vst.msk $0xffff, v1  }
0x37: {  	s15 =	sshra.s32 s19, $0x2;
	v1 =	vld [tilespmem:s18+$0xFFFFFFE0]  }
0x38: {  	s15 =	sadd.s32 s15, s16  }
0x39: {  	s18 =	sadd.s32 $0x40, s18;
	[tilespmem:s15+$0x1830 ss:$0x81] =	vst.msk $0xffff, v3  }
.Ltmp4:
0x3a: {  	_ = 	snop;
	(pc) =	sbr.rel .LBB1_4-.Ltmp4, $1  }
0x3b: {  	_ =	sdelay $0x3  }
.LBB1_6:
0x3c: {  	_ =	sfence.sel $0x180000  }
0x3d: {  	s2 =	simm.s32 $0x1;
	[bflag:$0x0] =	sbarrier.arrive $0xFFFF  }
0x3e: {  	s31 =	simm.s32 $0x2;
	[sflag:s2] =	ssyncpa.u1 $0x1  }
0x3f: {  	[sflag:s31] =	ssyncpa.u1 $0x1  }
0x40: {  	p0 =	sne.s32 s0, $0x0;
	_ =	strace $0x9000004A  }
0x41: {  	s0 =	sadd.s32 @!p0 $0x100000, s1;
	[bflag:$0x2] =	sbarrier.arrive $0xFFFF  }
0x42: {  	[sflag:s0] =	ssyncadd.tile.s32 @!p0 $0x1;
	_ =	shalt  }
.Lfunc_end1:
_tile_overlayer_lowered:
.L_overlay_start_2:
0x43: {  	(tag) =	ssettag $0x2  }
0x44: {  	s0 =	rddreg [dreg:$0x0];
	s2 =	stileid.u32  }
0x45: {  	s1 =	rddreg [dreg:$0x1];
	p0 =	sne.s32 s2, $0x0  }
0x46: {  	s3 =	rddreg [dreg:$0x2];
	[bflag:$0x3] =	sbarrier.arrive $0xFFFF;
	s2 =	simm.s32 @!p0 $0x1C01  }
0x47: {  	[timem:s3], [sflag:s2] =	dma.local @!p0 [hbm:s0], s1  }
0x48: {  	s0 =	simm.s32 @!p0 $0x1  }
0x49: {  	_ =	swait.ge @!p0 [sflag:s0], s1  }
0x4a: {  	s1 =	ssub.s32 @!p0 $0x0, s1;
	[sflag:s0] =	ssyncset.done @!p0 $0x0  }
0x4b: {  	[sflag:s0] =	ssyncadd.s32 @!p0 s1  }
0x4c: {  	[bflag:$0x3] =	sbarrier.arrive $0xFFFF  }
0x4d: {  	_ =	shalt  }

</sc_bundles>
